<compile_context>
chip_gen: v7x
topology: tpu7x:2x2x1
jax: 0.10.2.dev20260603
libtpu: 0.0.44.dev20260713+nightly
codegen_flags: <defaults>
</compile_context>

<pallas_src>
import functools

import jax
import jax.numpy as jnp
import numpy as np
from jax import lax
from jax.experimental import pallas as pl
from jax.experimental.pallas import tpu as pltpu
from jax.experimental.pallas import tpu_sc as plsc

_COV_VALS = [
    0.2, 0.31, 0.28, 1.28, 0.96, 0.84, 0.76, 0.71, 0.66, 0.57,
    0.58, 1.66, 1.41, 1.21, 1.11, 1.07, 1.05, 1.02, 1.06, 2.03,
    1.76, 1.70, 1.60, 1.53, 1.39, 1.39, 1.32, 1.26, 1.24, 1.32,
    1.22, 1.22, 1.20, 1.19, 1.20, 1.20, 1.16, 2.20, 1.95, 1.90,
    1.75, 1.64, 1.54, 1.47, 1.46, 1.42, 1.39, 1.45, 1.44, 1.42,
    1.39, 1.39, 1.38, 1.39, 1.40, 2.44, 2.15, 2.07, 2.04, 2.03,
    2.01, 1.99, 1.98, 1.98, 1.96, 1.94, 1.92, 1.92, 1.89, 1.90,
    1.87, 1.87, 1.75, 1.70, 1.62, 1.51, 1.44, 1.41, 1.36, 1.36,
    1.32, 1.45, 1.46, 1.48, 1.40, 1.50, 1.50, 2.60, 2.21, 2.15,
    2.06, 2.00, 1.96, 1.90, 1.87, 1.80, 1.69, 0.2, 0.2, 0.2,
    0.2, 0.2, 0.2, 0.2, 0.2, 0.2, 0.2, 0.2, 0.2, 0.2,
    0.2, 0.2, 0.2, 0.2, 0.2, 0.2, 0.2, 0.2, 0.2,
]
_COV = np.zeros((8, 128), dtype=np.float32)
_COV[0, : len(_COV_VALS)] = _COV_VALS

_N_NODES = 100000
_N_EDGES = 6400000
_N_ELEMS = 10
_COLS = 4000
_CHUNK = 3200


def _node_tab_body(an_ref, cov_ref, attrs_ref, out_ref):
    attrs = attrs_ref[0]
    m = jnp.max(attrs, axis=0, keepdims=True)
    k10 = lax.broadcasted_iota(jnp.int32, attrs.shape, 0)
    amax = jnp.min(jnp.where(attrs == m, k10, _N_ELEMS), axis=0, keepdims=True)
    an = an_ref[...]
    z128 = lax.broadcasted_iota(jnp.int32, an.shape, 1)
    cov = cov_ref[0:1, :]
    covf = jnp.sum(jnp.where(an == z128, cov, 0.0), axis=1, keepdims=True)
    covf10 = covf[0:_N_ELEMS]
    val = jnp.sum(jnp.where(amax == k10, covf10, 0.0), axis=0, keepdims=True)
    out_ref[0] = val * 0.25


def _node_tab(an_bc, attrs_t):
    out = pl.pallas_call(
        _node_tab_body,
        grid=(1,),
        in_specs=[
            pl.BlockSpec((16, 128), lambda i: (0, 0)),
            pl.BlockSpec((8, 128), lambda i: (0, 0)),
            pl.BlockSpec((1, _N_ELEMS, _N_NODES), lambda i: (0, 0, 0)),
        ],
        out_specs=pl.BlockSpec((1, 1, _N_NODES), lambda i: (0, 0, 0)),
        out_shape=jax.ShapeDtypeStruct((1, 1, _N_NODES), jnp.float32),
    )(an_bc, jnp.asarray(_COV), attrs_t)
    return out


def _make_edge_kernel():
    info = plsc.get_sparse_core_info()
    nc, ns = info.num_cores, info.num_subcores
    nw = nc * ns
    total_chunks = _N_EDGES // _CHUNK
    assert _N_EDGES % _CHUNK == 0 and _CHUNK % 128 == 0
    n_lo = total_chunks // nw
    n_extra = total_chunks % nw
    n_hi = n_lo + (1 if n_extra else 0)
    pairs = -(-n_hi // 2)
    n_vec = _CHUNK // 16
    mesh = plsc.VectorSubcoreMesh(core_axis_name="c", subcore_axis_name="s")

    @functools.partial(
        pl.kernel,
        mesh=mesh,
        compiler_params=pltpu.CompilerParams(needs_layout_passes=False),
        out_type=jax.ShapeDtypeStruct((_N_EDGES,), jnp.float32),
        scratch_types=[
            pltpu.VMEM((_N_NODES,), jnp.float32),
            pltpu.VMEM((2, _CHUNK), jnp.int32),
            pltpu.VMEM((_CHUNK,), jnp.float32),
            pltpu.VMEM((_CHUNK,), jnp.float32),
            pltpu.VMEM((2, _CHUNK), jnp.int32),
            pltpu.VMEM((_CHUNK,), jnp.float32),
            pltpu.VMEM((_CHUNK,), jnp.float32),
            pltpu.SemaphoreType.DMA,
            pltpu.SemaphoreType.DMA,
            pltpu.SemaphoreType.DMA,
            pltpu.SemaphoreType.DMA,
            pltpu.SemaphoreType.DMA,
        ],
    )
    def edge_kernel(tab_hbm, ei_hbm, x_hbm, out_hbm,
                    tab_v,
                    ei0, x0, y0, ei1, x1, y1,
                    isem0, isem1, osem0, osem1, tsem):
        c = lax.axis_index("c")
        s = lax.axis_index("s")
        wid = s * nc + c
        n_my = n_lo + jnp.where(wid < n_extra, 1, 0)
        tab_cp = pltpu.make_async_copy(tab_hbm, tab_v, tsem)
        tab_cp.start()

        bufs = ((ei0, x0, y0, isem0, osem0),
                (ei1, x1, y1, isem1, osem1))

        def in_copies(g, b):
            base = (wid + nw * g) * _CHUNK
            ei_v, x_v, _, isem, _ = bufs[b]
            return (
                pltpu.make_async_copy(ei_hbm.at[:, pl.ds(base, _CHUNK)], ei_v, isem),
                pltpu.make_async_copy(x_hbm.at[pl.ds(base, _CHUNK)], x_v, isem),
            )

        def out_copy(g, b):
            base = (wid + nw * g) * _CHUNK
            y_v, osem = bufs[b][2], bufs[b][4]
            return pltpu.make_async_copy(y_v, out_hbm.at[pl.ds(base, _CHUNK)], osem)

        def issue_in(g, b):
            for cp in in_copies(g, b):
                cp.start()

        def compute(b):
            ei_v, x_v, y_v = bufs[b][0], bufs[b][1], bufs[b][2]

            @plsc.parallel_loop(0, n_vec, unroll=8)
            def vec_body(j):
                sl = pl.ds(j * 16, 16)
                gs = plsc.load_gather(tab_v, [ei_v[0, sl]])
                gt = plsc.load_gather(tab_v, [ei_v[1, sl]])
                xv = x_v[sl]
                r = xv / (gs + gt)
                p = r * -2.0 - (r * r * r) * 0.4
                e = jnp.exp(p)
                y_v[sl] = xv + e / (1.0 + e)

        issue_in(0, 0)
        issue_in(1, 1)
        tab_cp.wait()

        def chunk_pair(g2, carry):
            for b in (0, 1):
                g = g2 * 2 + b

                @pl.when(g < n_my)
                def _():
                    for cp in in_copies(g, b):
                        cp.wait()

                    @pl.when(g2 > 0)
                    def _():
                        out_copy(g - 2, b).wait()

                    compute(b)
                    out_copy(g, b).start()

                    @pl.when(g + 2 < n_my)
                    def _():
                        issue_in(g + 2, b)
            return carry

        lax.fori_loop(0, pairs, chunk_pair, 0)
        even = n_my % 2 == 0
        out_copy(jnp.where(even, n_my - 2, n_my - 1), 0).wait()
        out_copy(jnp.where(even, n_my - 1, n_my - 2), 1).wait()

    return edge_kernel


def kernel(x, node_attrs, edge_index, atomic_numbers):
    an_bc = jnp.full((16, 128), -1, jnp.int32).at[:_N_ELEMS, :].set(
        jnp.broadcast_to(atomic_numbers[:, None], (_N_ELEMS, 128)))
    attrs_t = node_attrs.T.reshape(1, _N_ELEMS, _N_NODES)
    tab = _node_tab(an_bc, attrs_t).reshape(_N_NODES)
    xf = x.reshape(_N_EDGES)
    y = _make_edge_kernel()(tab, edge_index, xf)
    return y.reshape(_N_EDGES, 1)

# --- scband reference (transcript-rebuilt; emitter-appended) ---
"""Pipeline reference for scband-soft-transform-35777077576007 (READ-ONLY COPY).

The authoritative reference and input builder live on the scoring server;
editing this copy changes nothing except your own understanding.
"""

import jax, jax.numpy as jnp
import numpy as np

# ase.data.covalent_radii (Cordero et al. 2008; missing entries = 0.2), atomic numbers 0..118
COVALENT_RADII = np.array([
    0.2, 0.31, 0.28, 1.28, 0.96, 0.84, 0.76, 0.71, 0.66, 0.57,
    0.58, 1.66, 1.41, 1.21, 1.11, 1.07, 1.05, 1.02, 1.06, 2.03,
    1.76, 1.70, 1.60, 1.53, 1.39, 1.39, 1.32, 1.26, 1.24, 1.32,
    1.22, 1.22, 1.20, 1.19, 1.20, 1.20, 1.16, 2.20, 1.95, 1.90,
    1.75, 1.64, 1.54, 1.47, 1.46, 1.42, 1.39, 1.45, 1.44, 1.42,
    1.39, 1.39, 1.38, 1.39, 1.40, 2.44, 2.15, 2.07, 2.04, 2.03,
    2.01, 1.99, 1.98, 1.98, 1.96, 1.94, 1.92, 1.92, 1.89, 1.90,
    1.87, 1.87, 1.75, 1.70, 1.62, 1.51, 1.44, 1.41, 1.36, 1.36,
    1.32, 1.45, 1.46, 1.48, 1.40, 1.50, 1.50, 2.60, 2.21, 2.15,
    2.06, 2.00, 1.96, 1.90, 1.87, 1.80, 1.69, 0.2, 0.2, 0.2,
    0.2, 0.2, 0.2, 0.2, 0.2, 0.2, 0.2, 0.2, 0.2, 0.2,
    0.2, 0.2, 0.2, 0.2, 0.2, 0.2, 0.2, 0.2, 0.2
], dtype=np.float32)

N_NODES = 100000
N_EDGES = 6400000
N_ELEMS = 10


def setup_inputs(seed: int = 0) -> dict:
    key = jax.random.key(seed)
    k1, k2, k3, k4 = jax.random.split(key, 4)
    x = jax.random.uniform(k1, (N_EDGES, 1), dtype=jnp.float32)
    node_attrs = jax.random.uniform(k2, (N_NODES, N_ELEMS), dtype=jnp.float32)
    edge_index = jax.random.randint(k3, (2, N_EDGES), 0, N_NODES, dtype=jnp.int32)
    atomic_numbers = jax.random.randint(k4, (N_ELEMS,), 0, 90, dtype=jnp.int32)
    return {"x": x, "node_attrs": node_attrs, "edge_index": edge_index, "atomic_numbers": atomic_numbers}


def reference(x, node_attrs, edge_index, atomic_numbers):
    a = jnp.float32(0.2)
    b = jnp.float32(3.0)
    cov = jnp.asarray(COVALENT_RADII)
    source = edge_index[0]
    target = edge_index[1]
    # per-node atomic number via argmax over one-hot node attrs
    node_atomic_numbers = jnp.take(atomic_numbers, jnp.argmax(node_attrs, axis=1))[:, None]
    Z_u = jnp.take(node_atomic_numbers, source, axis=0)  # [E, 1]
    Z_v = jnp.take(node_atomic_numbers, target, axis=0)  # [E, 1]
    r_0 = (jnp.take(cov, Z_u) + jnp.take(cov, Z_v)) / 4.0  # [E, 1]
    r_over_r_0 = x / r_0
    y = x + 0.5 * jnp.tanh(-r_over_r_0 - a * jnp.power(r_over_r_0, b)) + 0.5
    return y

if __name__ == "__main__":
    import jax
    _d = setup_inputs()
    print(jax.jit(kernel)(*tuple(_d.values())))

</pallas_src>

<mosaic_0001>
#map = affine_map<(d0, d1) -> (0)>
#map1 = affine_map<(d0, d1) -> (0, 0)>
module attributes {stable_mosaic.version = 14 : i64} {
  func.func @edge_kernel(%arg0: i32, %arg1: i32, %arg2: memref<100000xf32, #tpu.memory_space<hbm>>, %arg3: memref<2x6400000xi32, #tpu.memory_space<hbm>>, %arg4: memref<6400000xf32, #tpu.memory_space<hbm>>, %arg5: memref<6400000xf32, #tpu.memory_space<hbm>>, %arg6: memref<100000xf32, #tpu.memory_space<vmem>>, %arg7: memref<2x3200xi32, #tpu.memory_space<vmem>>, %arg8: memref<3200xf32, #tpu.memory_space<vmem>>, %arg9: memref<3200xf32, #tpu.memory_space<vmem>>, %arg10: memref<2x3200xi32, #tpu.memory_space<vmem>>, %arg11: memref<3200xf32, #tpu.memory_space<vmem>>, %arg12: memref<3200xf32, #tpu.memory_space<vmem>>, %arg13: memref<!tpu.dma_semaphore, #tpu.memory_space<semaphore_mem>>, %arg14: memref<!tpu.dma_semaphore, #tpu.memory_space<semaphore_mem>>, %arg15: memref<!tpu.dma_semaphore, #tpu.memory_space<semaphore_mem>>, %arg16: memref<!tpu.dma_semaphore, #tpu.memory_space<semaphore_mem>>, %arg17: memref<!tpu.dma_semaphore, #tpu.memory_space<semaphore_mem>>) attributes {dimension_semantics = [#tpu.dimension_semantics<core_parallel>, #tpu.dimension_semantics<subcore_parallel>], iteration_bounds = array<i64: 2, 16>, scalar_prefetch = 0 : i64, scratch_operands = 12 : i64, tpu.core_type = #tpu.core_type<sc_vector_subcore>, window_params = [{transform_indices = #map}, {transform_indices = #map1}, {transform_indices = #map}, {transform_indices = #map}]} {
    %mul3A = arith.constant 2 : i32
    %mul3A_0 = arith.muli %arg1, %mul3A : i32
    %add3A = arith.addi %mul3A_0, %arg0 : i32
    %lt3A = arith.constant 16 : i32
    %lt3A_1 = arith.cmpi slt, %add3A, %lt3A : i32
    %jit3A = arith.constant 1 : i32
    %jit3A_2 = arith.constant 0 : i32
    %select_n3A = arith.select %lt3A_1, %jit3A, %jit3A_2 : i32
    %add3A_3 = arith.constant 62 : i32
    %add3A_4 = arith.addi %add3A_3, %select_n3A : i32
    tpu.enqueue_dma source(%arg2 : memref<100000xf32, #tpu.memory_space<hbm>>) target(%arg6 : memref<100000xf32, #tpu.memory_space<vmem>>) target_semaphore(%arg17 : memref<!tpu.dma_semaphore, #tpu.memory_space<semaphore_mem>>)
    %add3A_5 = arith.constant 0 : i32
    %add3A_6 = arith.addi %add3A, %add3A_5 : i32
    %mul3A_7 = arith.constant 3200 : i32
    %mul3A_8 = arith.muli %add3A_6, %mul3A_7 : i32
    %dma_start3A = arith.constant 0 : i32
    %dma_start3A_9 = tpu.memref_slice %arg3[%dma_start3A, %mul3A_8] : memref<2x6400000xi32, #tpu.memory_space<hbm>> -> memref<2x3200xi32, #tpu.memory_space<hbm>>
    %dma_start3A_10 = arith.constant 0 : i32
    %dma_start3A_11 = tpu.memref_slice %arg3[%dma_start3A_10, %mul3A_8] : memref<2x6400000xi32, #tpu.memory_space<hbm>> -> memref<2x3200xi32, #tpu.memory_space<hbm>>
    tpu.enqueue_dma source(%dma_start3A_11 : memref<2x3200xi32, #tpu.memory_space<hbm>>) target(%arg7 : memref<2x3200xi32, #tpu.memory_space<vmem>>) target_semaphore(%arg13 : memref<!tpu.dma_semaphore, #tpu.memory_space<semaphore_mem>>)
    %dma_start3A_12 = tpu.memref_slice %arg4[%mul3A_8] : memref<6400000xf32, #tpu.memory_space<hbm>> -> memref<3200xf32, #tpu.memory_space<hbm>>
    %dma_start3A_13 = tpu.memref_slice %arg4[%mul3A_8] : memref<6400000xf32, #tpu.memory_space<hbm>> -> memref<3200xf32, #tpu.memory_space<hbm>>
    tpu.enqueue_dma source(%dma_start3A_13 : memref<3200xf32, #tpu.memory_space<hbm>>) target(%arg8 : memref<3200xf32, #tpu.memory_space<vmem>>) target_semaphore(%arg13 : memref<!tpu.dma_semaphore, #tpu.memory_space<semaphore_mem>>)
    %add3A_14 = arith.constant 32 : i32
    %add3A_15 = arith.addi %add3A, %add3A_14 : i32
    %mul3A_16 = arith.constant 3200 : i32
    %mul3A_17 = arith.muli %add3A_15, %mul3A_16 : i32
    %dma_start3A_18 = arith.constant 0 : i32
    %dma_start3A_19 = tpu.memref_slice %arg3[%dma_start3A_18, %mul3A_17] : memref<2x6400000xi32, #tpu.memory_space<hbm>> -> memref<2x3200xi32, #tpu.memory_space<hbm>>
    %dma_start3A_20 = arith.constant 0 : i32
    %dma_start3A_21 = tpu.memref_slice %arg3[%dma_start3A_20, %mul3A_17] : memref<2x6400000xi32, #tpu.memory_space<hbm>> -> memref<2x3200xi32, #tpu.memory_space<hbm>>
    tpu.enqueue_dma source(%dma_start3A_21 : memref<2x3200xi32, #tpu.memory_space<hbm>>) target(%arg10 : memref<2x3200xi32, #tpu.memory_space<vmem>>) target_semaphore(%arg14 : memref<!tpu.dma_semaphore, #tpu.memory_space<semaphore_mem>>)
    %dma_start3A_22 = tpu.memref_slice %arg4[%mul3A_17] : memref<6400000xf32, #tpu.memory_space<hbm>> -> memref<3200xf32, #tpu.memory_space<hbm>>
    %dma_start3A_23 = tpu.memref_slice %arg4[%mul3A_17] : memref<6400000xf32, #tpu.memory_space<hbm>> -> memref<3200xf32, #tpu.memory_space<hbm>>
    tpu.enqueue_dma source(%dma_start3A_23 : memref<3200xf32, #tpu.memory_space<hbm>>) target(%arg11 : memref<3200xf32, #tpu.memory_space<vmem>>) target_semaphore(%arg14 : memref<!tpu.dma_semaphore, #tpu.memory_space<semaphore_mem>>)
    tpu.wait_dma2 semaphore(%arg17 : memref<!tpu.dma_semaphore, #tpu.memory_space<semaphore_mem>>) src(%arg2 : memref<100000xf32, #tpu.memory_space<hbm>>) dst(%arg6 : memref<100000xf32, #tpu.memory_space<vmem>>)
    %scan3A = arith.constant 0 : i32
    %scan3A_24 = arith.constant 0 : i32
    %scan3A_25 = arith.constant 32 : i32
    %scan3A_26 = arith.addi %scan3A_24, %scan3A_25 : i32
    %scan3A_27 = arith.constant 1 : i32
    scf.for %scan3A_65 = %scan3A_24 to %scan3A_26 step %scan3A_27  : i32 {
      %mul3A_66 = arith.constant 2 : i32
      %mul3A_67 = arith.muli %scan3A_65, %mul3A_66 : i32
      %add3A_68 = arith.constant 0 : i32
      %add3A_69 = arith.addi %mul3A_67, %add3A_68 : i32
      %lt3A_70 = arith.cmpi slt, %add3A_69, %add3A_4 : i32
      %convert_element_type3A = arith.extui %lt3A_70 : i1 to i32
      %cond3A = arith.constant 0 : i32
      %cond3A_71 = arith.cmpi ne, %convert_element_type3A, %cond3A : i32
      scf.if %cond3A_71 {
        %mul3A_80 = arith.constant 32 : i32
        %mul3A_81 = arith.muli %mul3A_80, %add3A_69 : i32
        %add3A_82 = arith.addi %add3A, %mul3A_81 : i32
        %mul3A_83 = arith.constant 3200 : i32
        %mul3A_84 = arith.muli %add3A_82, %mul3A_83 : i32
        %dma_wait3A_85 = arith.constant 0 : i32
        %dma_wait3A_86 = tpu.memref_slice %arg3[%dma_wait3A_85, %mul3A_84] : memref<2x6400000xi32, #tpu.memory_space<hbm>> -> memref<2x3200xi32, #tpu.memory_space<hbm>>
        %dma_wait3A_87 = arith.constant 0 : i32
        %dma_wait3A_88 = tpu.memref_slice %arg3[%dma_wait3A_87, %mul3A_84] : memref<2x6400000xi32, #tpu.memory_space<hbm>> -> memref<2x3200xi32, #tpu.memory_space<hbm>>
        tpu.wait_dma2 semaphore(%arg13 : memref<!tpu.dma_semaphore, #tpu.memory_space<semaphore_mem>>) src(%dma_wait3A_88 : memref<2x3200xi32, #tpu.memory_space<hbm>>) dst(%arg7 : memref<2x3200xi32, #tpu.memory_space<vmem>>)
        %dma_wait3A_89 = tpu.memref_slice %arg4[%mul3A_84] : memref<6400000xf32, #tpu.memory_space<hbm>> -> memref<3200xf32, #tpu.memory_space<hbm>>
        %dma_wait3A_90 = tpu.memref_slice %arg4[%mul3A_84] : memref<6400000xf32, #tpu.memory_space<hbm>> -> memref<3200xf32, #tpu.memory_space<hbm>>
        tpu.wait_dma2 semaphore(%arg13 : memref<!tpu.dma_semaphore, #tpu.memory_space<semaphore_mem>>) src(%dma_wait3A_90 : memref<3200xf32, #tpu.memory_space<hbm>>) dst(%arg8 : memref<3200xf32, #tpu.memory_space<vmem>>)
        %gt3A = arith.constant 0 : i32
        %gt3A_91 = arith.cmpi sgt, %scan3A_65, %gt3A : i32
        %convert_element_type3A_92 = arith.extui %gt3A_91 : i1 to i32
        %cond3A_93 = arith.constant 0 : i32
        %cond3A_94 = arith.cmpi ne, %convert_element_type3A_92, %cond3A_93 : i32
        scf.if %cond3A_94 {
          %sub3A_110 = arith.constant 2 : i32
          %sub3A_111 = arith.subi %add3A_69, %sub3A_110 : i32
          %mul3A_112 = arith.constant 32 : i32
          %mul3A_113 = arith.muli %mul3A_112, %sub3A_111 : i32
          %add3A_114 = arith.addi %add3A, %mul3A_113 : i32
          %mul3A_115 = arith.constant 3200 : i32
          %mul3A_116 = arith.muli %add3A_114, %mul3A_115 : i32
          %dma_wait3A_117 = tpu.memref_slice %arg5[%mul3A_116] : memref<6400000xf32, #tpu.memory_space<hbm>> -> memref<3200xf32, #tpu.memory_space<hbm>>
          %dma_wait3A_118 = tpu.memref_slice %arg5[%mul3A_116] : memref<6400000xf32, #tpu.memory_space<hbm>> -> memref<3200xf32, #tpu.memory_space<hbm>>
          tpu.wait_dma2 semaphore(%arg15 : memref<!tpu.dma_semaphore, #tpu.memory_space<semaphore_mem>>) src(%arg9 : memref<3200xf32, #tpu.memory_space<vmem>>) dst(%dma_wait3A_118 : memref<3200xf32, #tpu.memory_space<hbm>>)
        } else {
        }
        %parallel_loop3A = arith.constant 0 : i32
        %parallel_loop3A_95 = arith.constant 200 : i32
        %parallel_loop3A_96 = arith.constant 1 : i32
        scf.for %parallel_loop3A_110 = %parallel_loop3A to %parallel_loop3A_95 step %parallel_loop3A_96  : i32 {
          %parallel_loop3A_111 = arith.constant 16 : i32
          %parallel_loop3A_112 = arith.muli %parallel_loop3A_110, %parallel_loop3A_111 : i32
          %parallel_loop3A_113 = arith.constant 0 : i32
          %parallel_loop3A_114 = arith.index_cast %parallel_loop3A_113 : i32 to index
          %parallel_loop3A_115 = arith.index_cast %parallel_loop3A_112 : i32 to index
          %parallel_loop3A_116 = tpu.vector_load %arg7[%parallel_loop3A_114, %parallel_loop3A_115] {strides = array<i32>} : memref<2x3200xi32, #tpu.memory_space<vmem>>, vector<16xi32>,
          %parallel_loop3A_117 = tpu.vector_load_idx %arg6[%parallel_loop3A_116] : memref<100000xf32, #tpu.memory_space<vmem>>[vector<16xi32>], vector<16xf32>,
          %parallel_loop3A_118 = arith.constant 1 : i32
          %parallel_loop3A_119 = arith.index_cast %parallel_loop3A_118 : i32 to index
          %parallel_loop3A_120 = arith.index_cast %parallel_loop3A_112 : i32 to index
          %parallel_loop3A_121 = tpu.vector_load %arg7[%parallel_loop3A_119, %parallel_loop3A_120] {strides = array<i32>} : memref<2x3200xi32, #tpu.memory_space<vmem>>, vector<16xi32>,
          %parallel_loop3A_122 = tpu.vector_load_idx %arg6[%parallel_loop3A_121] : memref<100000xf32, #tpu.memory_space<vmem>>[vector<16xi32>], vector<16xf32>,
          %parallel_loop3A_123 = arith.index_cast %parallel_loop3A_112 : i32 to index
          %parallel_loop3A_124 = tpu.vector_load %arg8[%parallel_loop3A_123] {strides = array<i32>} : memref<3200xf32, #tpu.memory_space<vmem>>, vector<16xf32>,
          %parallel_loop3A_125 = arith.addf %parallel_loop3A_117, %parallel_loop3A_122 : vector<16xf32>
          %parallel_loop3A_126 = arith.divf %parallel_loop3A_124, %parallel_loop3A_125 : vector<16xf32>
          %parallel_loop3A_127 = arith.constant -2.000000e+00 : f32
          %parallel_loop3A_128 = vector.broadcast %parallel_loop3A_127 : f32 to vector<16xf32>
          %parallel_loop3A_129 = arith.mulf %parallel_loop3A_126, %parallel_loop3A_128 : vector<16xf32>
          %parallel_loop3A_130 = arith.mulf %parallel_loop3A_126, %parallel_loop3A_126 : vector<16xf32>
          %parallel_loop3A_131 = arith.mulf %parallel_loop3A_130, %parallel_loop3A_126 : vector<16xf32>
          %parallel_loop3A_132 = arith.constant 4.000000e-01 : f32
          %parallel_loop3A_133 = vector.broadcast %parallel_loop3A_132 : f32 to vector<16xf32>
          %parallel_loop3A_134 = arith.mulf %parallel_loop3A_131, %parallel_loop3A_133 : vector<16xf32>
          %parallel_loop3A_135 = arith.subf %parallel_loop3A_129, %parallel_loop3A_134 : vector<16xf32>
          %parallel_loop3A_136 = math.exp %parallel_loop3A_135 : vector<16xf32>
          %parallel_loop3A_137 = arith.constant 1.000000e+00 : f32
          %parallel_loop3A_138 = vector.broadcast %parallel_loop3A_137 : f32 to vector<16xf32>
          %parallel_loop3A_139 = arith.addf %parallel_loop3A_138, %parallel_loop3A_136 : vector<16xf32>
          %parallel_loop3A_140 = arith.divf %parallel_loop3A_136, %parallel_loop3A_139 : vector<16xf32>
          %parallel_loop3A_141 = arith.addf %parallel_loop3A_124, %parallel_loop3A_140 : vector<16xf32>
          %parallel_loop3A_142 = arith.index_cast %parallel_loop3A_112 : i32 to index
          %parallel_loop3A_143 = tpu.vector_load %arg9[%parallel_loop3A_142] {strides = array<i32>} : memref<3200xf32, #tpu.memory_space<vmem>>, vector<16xf32>,
          tpu.vector_store %arg9[%parallel_loop3A_142], %parallel_loop3A_141 {strides = array<i32>} : memref<3200xf32, #tpu.memory_space<vmem>>, vector<16xf32>,
        } {sc.loop_unroll_factor = 8 : i64, sc.parallel_access}
        %mul3A_97 = arith.constant 32 : i32
        %mul3A_98 = arith.muli %mul3A_97, %add3A_69 : i32
        %add3A_99 = arith.addi %add3A, %mul3A_98 : i32
        %mul3A_100 = arith.constant 3200 : i32
        %mul3A_101 = arith.muli %add3A_99, %mul3A_100 : i32
        %dma_start3A_102 = tpu.memref_slice %arg5[%mul3A_101] : memref<6400000xf32, #tpu.memory_space<hbm>> -> memref<3200xf32, #tpu.memory_space<hbm>>
        %dma_start3A_103 = tpu.memref_slice %arg5[%mul3A_101] : memref<6400000xf32, #tpu.memory_space<hbm>> -> memref<3200xf32, #tpu.memory_space<hbm>>
        tpu.enqueue_dma source(%arg9 : memref<3200xf32, #tpu.memory_space<vmem>>) target(%dma_start3A_103 : memref<3200xf32, #tpu.memory_space<hbm>>) target_semaphore(%arg15 : memref<!tpu.dma_semaphore, #tpu.memory_space<semaphore_mem>>)
        %add3A_104 = arith.constant 2 : i32
        %add3A_105 = arith.addi %add3A_69, %add3A_104 : i32
        %lt3A_106 = arith.cmpi slt, %add3A_105, %add3A_4 : i32
        %convert_element_type3A_107 = arith.extui %lt3A_106 : i1 to i32
        %cond3A_108 = arith.constant 0 : i32
        %cond3A_109 = arith.cmpi ne, %convert_element_type3A_107, %cond3A_108 : i32
        scf.if %cond3A_109 {
          %add3A_110 = arith.constant 2 : i32
          %add3A_111 = arith.addi %add3A_69, %add3A_110 : i32
          %mul3A_112 = arith.constant 32 : i32
          %mul3A_113 = arith.muli %mul3A_112, %add3A_111 : i32
          %add3A_114 = arith.addi %add3A, %mul3A_113 : i32
          %mul3A_115 = arith.constant 3200 : i32
          %mul3A_116 = arith.muli %add3A_114, %mul3A_115 : i32
          %dma_start3A_117 = arith.constant 0 : i32
          %dma_start3A_118 = tpu.memref_slice %arg3[%dma_start3A_117, %mul3A_116] : memref<2x6400000xi32, #tpu.memory_space<hbm>> -> memref<2x3200xi32, #tpu.memory_space<hbm>>
          %dma_start3A_119 = arith.constant 0 : i32
          %dma_start3A_120 = tpu.memref_slice %arg3[%dma_start3A_119, %mul3A_116] : memref<2x6400000xi32, #tpu.memory_space<hbm>> -> memref<2x3200xi32, #tpu.memory_space<hbm>>
          tpu.enqueue_dma source(%dma_start3A_120 : memref<2x3200xi32, #tpu.memory_space<hbm>>) target(%arg7 : memref<2x3200xi32, #tpu.memory_space<vmem>>) target_semaphore(%arg13 : memref<!tpu.dma_semaphore, #tpu.memory_space<semaphore_mem>>)
          %dma_start3A_121 = tpu.memref_slice %arg4[%mul3A_116] : memref<6400000xf32, #tpu.memory_space<hbm>> -> memref<3200xf32, #tpu.memory_space<hbm>>
          %dma_start3A_122 = tpu.memref_slice %arg4[%mul3A_116] : memref<6400000xf32, #tpu.memory_space<hbm>> -> memref<3200xf32, #tpu.memory_space<hbm>>
          tpu.enqueue_dma source(%dma_start3A_122 : memref<3200xf32, #tpu.memory_space<hbm>>) target(%arg8 : memref<3200xf32, #tpu.memory_space<vmem>>) target_semaphore(%arg13 : memref<!tpu.dma_semaphore, #tpu.memory_space<semaphore_mem>>)
        } else {
        }
      } else {
      }
      %mul3A_72 = arith.constant 2 : i32
      %mul3A_73 = arith.muli %scan3A_65, %mul3A_72 : i32
      %add3A_74 = arith.constant 1 : i32
      %add3A_75 = arith.addi %mul3A_73, %add3A_74 : i32
      %lt3A_76 = arith.cmpi slt, %add3A_75, %add3A_4 : i32
      %convert_element_type3A_77 = arith.extui %lt3A_76 : i1 to i32
      %cond3A_78 = arith.constant 0 : i32
      %cond3A_79 = arith.cmpi ne, %convert_element_type3A_77, %cond3A_78 : i32
      scf.if %cond3A_79 {
        %mul3A_80 = arith.constant 32 : i32
        %mul3A_81 = arith.muli %mul3A_80, %add3A_75 : i32
        %add3A_82 = arith.addi %add3A, %mul3A_81 : i32
        %mul3A_83 = arith.constant 3200 : i32
        %mul3A_84 = arith.muli %add3A_82, %mul3A_83 : i32
        %dma_wait3A_85 = arith.constant 0 : i32
        %dma_wait3A_86 = tpu.memref_slice %arg3[%dma_wait3A_85, %mul3A_84] : memref<2x6400000xi32, #tpu.memory_space<hbm>> -> memref<2x3200xi32, #tpu.memory_space<hbm>>
        %dma_wait3A_87 = arith.constant 0 : i32
        %dma_wait3A_88 = tpu.memref_slice %arg3[%dma_wait3A_87, %mul3A_84] : memref<2x6400000xi32, #tpu.memory_space<hbm>> -> memref<2x3200xi32, #tpu.memory_space<hbm>>
        tpu.wait_dma2 semaphore(%arg14 : memref<!tpu.dma_semaphore, #tpu.memory_space<semaphore_mem>>) src(%dma_wait3A_88 : memref<2x3200xi32, #tpu.memory_space<hbm>>) dst(%arg10 : memref<2x3200xi32, #tpu.memory_space<vmem>>)
        %dma_wait3A_89 = tpu.memref_slice %arg4[%mul3A_84] : memref<6400000xf32, #tpu.memory_space<hbm>> -> memref<3200xf32, #tpu.memory_space<hbm>>
        %dma_wait3A_90 = tpu.memref_slice %arg4[%mul3A_84] : memref<6400000xf32, #tpu.memory_space<hbm>> -> memref<3200xf32, #tpu.memory_space<hbm>>
        tpu.wait_dma2 semaphore(%arg14 : memref<!tpu.dma_semaphore, #tpu.memory_space<semaphore_mem>>) src(%dma_wait3A_90 : memref<3200xf32, #tpu.memory_space<hbm>>) dst(%arg11 : memref<3200xf32, #tpu.memory_space<vmem>>)
        %gt3A = arith.constant 0 : i32
        %gt3A_91 = arith.cmpi sgt, %scan3A_65, %gt3A : i32
        %convert_element_type3A_92 = arith.extui %gt3A_91 : i1 to i32
        %cond3A_93 = arith.constant 0 : i32
        %cond3A_94 = arith.cmpi ne, %convert_element_type3A_92, %cond3A_93 : i32
        scf.if %cond3A_94 {
          %sub3A_110 = arith.constant 2 : i32
          %sub3A_111 = arith.subi %add3A_75, %sub3A_110 : i32
          %mul3A_112 = arith.constant 32 : i32
          %mul3A_113 = arith.muli %mul3A_112, %sub3A_111 : i32
          %add3A_114 = arith.addi %add3A, %mul3A_113 : i32
          %mul3A_115 = arith.constant 3200 : i32
          %mul3A_116 = arith.muli %add3A_114, %mul3A_115 : i32
          %dma_wait3A_117 = tpu.memref_slice %arg5[%mul3A_116] : memref<6400000xf32, #tpu.memory_space<hbm>> -> memref<3200xf32, #tpu.memory_space<hbm>>
          %dma_wait3A_118 = tpu.memref_slice %arg5[%mul3A_116] : memref<6400000xf32, #tpu.memory_space<hbm>> -> memref<3200xf32, #tpu.memory_space<hbm>>
          tpu.wait_dma2 semaphore(%arg16 : memref<!tpu.dma_semaphore, #tpu.memory_space<semaphore_mem>>) src(%arg12 : memref<3200xf32, #tpu.memory_space<vmem>>) dst(%dma_wait3A_118 : memref<3200xf32, #tpu.memory_space<hbm>>)
        } else {
        }
        %parallel_loop3A = arith.constant 0 : i32
        %parallel_loop3A_95 = arith.constant 200 : i32
        %parallel_loop3A_96 = arith.constant 1 : i32
        scf.for %parallel_loop3A_110 = %parallel_loop3A to %parallel_loop3A_95 step %parallel_loop3A_96  : i32 {
          %parallel_loop3A_111 = arith.constant 16 : i32
          %parallel_loop3A_112 = arith.muli %parallel_loop3A_110, %parallel_loop3A_111 : i32
          %parallel_loop3A_113 = arith.constant 0 : i32
          %parallel_loop3A_114 = arith.index_cast %parallel_loop3A_113 : i32 to index
          %parallel_loop3A_115 = arith.index_cast %parallel_loop3A_112 : i32 to index
          %parallel_loop3A_116 = tpu.vector_load %arg10[%parallel_loop3A_114, %parallel_loop3A_115] {strides = array<i32>} : memref<2x3200xi32, #tpu.memory_space<vmem>>, vector<16xi32>,
          %parallel_loop3A_117 = tpu.vector_load_idx %arg6[%parallel_loop3A_116] : memref<100000xf32, #tpu.memory_space<vmem>>[vector<16xi32>], vector<16xf32>,
          %parallel_loop3A_118 = arith.constant 1 : i32
          %parallel_loop3A_119 = arith.index_cast %parallel_loop3A_118 : i32 to index
          %parallel_loop3A_120 = arith.index_cast %parallel_loop3A_112 : i32 to index
          %parallel_loop3A_121 = tpu.vector_load %arg10[%parallel_loop3A_119, %parallel_loop3A_120] {strides = array<i32>} : memref<2x3200xi32, #tpu.memory_space<vmem>>, vector<16xi32>,
          %parallel_loop3A_122 = tpu.vector_load_idx %arg6[%parallel_loop3A_121] : memref<100000xf32, #tpu.memory_space<vmem>>[vector<16xi32>], vector<16xf32>,
          %parallel_loop3A_123 = arith.index_cast %parallel_loop3A_112 : i32 to index
          %parallel_loop3A_124 = tpu.vector_load %arg11[%parallel_loop3A_123] {strides = array<i32>} : memref<3200xf32, #tpu.memory_space<vmem>>, vector<16xf32>,
          %parallel_loop3A_125 = arith.addf %parallel_loop3A_117, %parallel_loop3A_122 : vector<16xf32>
          %parallel_loop3A_126 = arith.divf %parallel_loop3A_124, %parallel_loop3A_125 : vector<16xf32>
          %parallel_loop3A_127 = arith.constant -2.000000e+00 : f32
          %parallel_loop3A_128 = vector.broadcast %parallel_loop3A_127 : f32 to vector<16xf32>
          %parallel_loop3A_129 = arith.mulf %parallel_loop3A_126, %parallel_loop3A_128 : vector<16xf32>
          %parallel_loop3A_130 = arith.mulf %parallel_loop3A_126, %parallel_loop3A_126 : vector<16xf32>
          %parallel_loop3A_131 = arith.mulf %parallel_loop3A_130, %parallel_loop3A_126 : vector<16xf32>
          %parallel_loop3A_132 = arith.constant 4.000000e-01 : f32
          %parallel_loop3A_133 = vector.broadcast %parallel_loop3A_132 : f32 to vector<16xf32>
          %parallel_loop3A_134 = arith.mulf %parallel_loop3A_131, %parallel_loop3A_133 : vector<16xf32>
          %parallel_loop3A_135 = arith.subf %parallel_loop3A_129, %parallel_loop3A_134 : vector<16xf32>
          %parallel_loop3A_136 = math.exp %parallel_loop3A_135 : vector<16xf32>
          %parallel_loop3A_137 = arith.constant 1.000000e+00 : f32
          %parallel_loop3A_138 = vector.broadcast %parallel_loop3A_137 : f32 to vector<16xf32>
          %parallel_loop3A_139 = arith.addf %parallel_loop3A_138, %parallel_loop3A_136 : vector<16xf32>
          %parallel_loop3A_140 = arith.divf %parallel_loop3A_136, %parallel_loop3A_139 : vector<16xf32>
          %parallel_loop3A_141 = arith.addf %parallel_loop3A_124, %parallel_loop3A_140 : vector<16xf32>
          %parallel_loop3A_142 = arith.index_cast %parallel_loop3A_112 : i32 to index
          %parallel_loop3A_143 = tpu.vector_load %arg12[%parallel_loop3A_142] {strides = array<i32>} : memref<3200xf32, #tpu.memory_space<vmem>>, vector<16xf32>,
          tpu.vector_store %arg12[%parallel_loop3A_142], %parallel_loop3A_141 {strides = array<i32>} : memref<3200xf32, #tpu.memory_space<vmem>>, vector<16xf32>,
        } {sc.loop_unroll_factor = 8 : i64, sc.parallel_access}
        %mul3A_97 = arith.constant 32 : i32
        %mul3A_98 = arith.muli %mul3A_97, %add3A_75 : i32
        %add3A_99 = arith.addi %add3A, %mul3A_98 : i32
        %mul3A_100 = arith.constant 3200 : i32
        %mul3A_101 = arith.muli %add3A_99, %mul3A_100 : i32
        %dma_start3A_102 = tpu.memref_slice %arg5[%mul3A_101] : memref<6400000xf32, #tpu.memory_space<hbm>> -> memref<3200xf32, #tpu.memory_space<hbm>>
        %dma_start3A_103 = tpu.memref_slice %arg5[%mul3A_101] : memref<6400000xf32, #tpu.memory_space<hbm>> -> memref<3200xf32, #tpu.memory_space<hbm>>
        tpu.enqueue_dma source(%arg12 : memref<3200xf32, #tpu.memory_space<vmem>>) target(%dma_start3A_103 : memref<3200xf32, #tpu.memory_space<hbm>>) target_semaphore(%arg16 : memref<!tpu.dma_semaphore, #tpu.memory_space<semaphore_mem>>)
        %add3A_104 = arith.constant 2 : i32
        %add3A_105 = arith.addi %add3A_75, %add3A_104 : i32
        %lt3A_106 = arith.cmpi slt, %add3A_105, %add3A_4 : i32
        %convert_element_type3A_107 = arith.extui %lt3A_106 : i1 to i32
        %cond3A_108 = arith.constant 0 : i32
        %cond3A_109 = arith.cmpi ne, %convert_element_type3A_107, %cond3A_108 : i32
        scf.if %cond3A_109 {
          %add3A_110 = arith.constant 2 : i32
          %add3A_111 = arith.addi %add3A_75, %add3A_110 : i32
          %mul3A_112 = arith.constant 32 : i32
          %mul3A_113 = arith.muli %mul3A_112, %add3A_111 : i32
          %add3A_114 = arith.addi %add3A, %mul3A_113 : i32
          %mul3A_115 = arith.constant 3200 : i32
          %mul3A_116 = arith.muli %add3A_114, %mul3A_115 : i32
          %dma_start3A_117 = arith.constant 0 : i32
          %dma_start3A_118 = tpu.memref_slice %arg3[%dma_start3A_117, %mul3A_116] : memref<2x6400000xi32, #tpu.memory_space<hbm>> -> memref<2x3200xi32, #tpu.memory_space<hbm>>
          %dma_start3A_119 = arith.constant 0 : i32
          %dma_start3A_120 = tpu.memref_slice %arg3[%dma_start3A_119, %mul3A_116] : memref<2x6400000xi32, #tpu.memory_space<hbm>> -> memref<2x3200xi32, #tpu.memory_space<hbm>>
          tpu.enqueue_dma source(%dma_start3A_120 : memref<2x3200xi32, #tpu.memory_space<hbm>>) target(%arg10 : memref<2x3200xi32, #tpu.memory_space<vmem>>) target_semaphore(%arg14 : memref<!tpu.dma_semaphore, #tpu.memory_space<semaphore_mem>>)
          %dma_start3A_121 = tpu.memref_slice %arg4[%mul3A_116] : memref<6400000xf32, #tpu.memory_space<hbm>> -> memref<3200xf32, #tpu.memory_space<hbm>>
          %dma_start3A_122 = tpu.memref_slice %arg4[%mul3A_116] : memref<6400000xf32, #tpu.memory_space<hbm>> -> memref<3200xf32, #tpu.memory_space<hbm>>
          tpu.enqueue_dma source(%dma_start3A_122 : memref<3200xf32, #tpu.memory_space<hbm>>) target(%arg11 : memref<3200xf32, #tpu.memory_space<vmem>>) target_semaphore(%arg14 : memref<!tpu.dma_semaphore, #tpu.memory_space<semaphore_mem>>)
        } else {
        }
      } else {
      }
    }
    %scan3A_28 = arith.constant 32 : i32
    %jit3A_29 = arith.constant 2 : i32
    %eq3A = arith.constant 0 : i32
    %eq3A_30 = arith.cmpi eq, %jit3A_29, %eq3A : i32
    %jit3A_31 = arith.constant 1 : i32
    %select_n3A_32 = arith.select %eq3A_30, %jit3A_31, %jit3A_29 : i32
    %rem3A = arith.remsi %add3A_4, %select_n3A_32 : i32
    %ne3A = arith.constant 0 : i32
    %ne3A_33 = arith.cmpi ne, %rem3A, %ne3A : i32
    %lt3A_34 = arith.constant 0 : i32
    %lt3A_35 = arith.cmpi slt, %rem3A, %lt3A_34 : i32
    %lt3A_36 = arith.constant 0 : i32
    %lt3A_37 = arith.cmpi slt, %select_n3A_32, %lt3A_36 : i32
    %ne3A_38 = arith.xori %lt3A_35, %lt3A_37 : i1
    %and3A = arith.andi %ne3A_38, %ne3A_33 : i1
    %add3A_39 = arith.addi %rem3A, %select_n3A_32 : i32
    %select_n3A_40 = arith.select %and3A, %add3A_39, %rem3A : i32
    %eq3A_41 = arith.constant 0 : i32
    %eq3A_42 = arith.cmpi eq, %select_n3A_40, %eq3A_41 : i32
    %sub3A = arith.constant 2 : i32
    %sub3A_43 = arith.subi %add3A_4, %sub3A : i32
    %sub3A_44 = arith.constant 1 : i32
    %sub3A_45 = arith.subi %add3A_4, %sub3A_44 : i32
    %select_n3A_46 = arith.select %eq3A_42, %sub3A_43, %sub3A_45 : i32
    %mul3A_47 = arith.constant 32 : i32
    %mul3A_48 = arith.muli %mul3A_47, %select_n3A_46 : i32
    %add3A_49 = arith.addi %add3A, %mul3A_48 : i32
    %mul3A_50 = arith.constant 3200 : i32
    %mul3A_51 = arith.muli %add3A_49, %mul3A_50 : i32
    %dma_wait3A = tpu.memref_slice %arg5[%mul3A_51] : memref<6400000xf32, #tpu.memory_space<hbm>> -> memref<3200xf32, #tpu.memory_space<hbm>>
    %dma_wait3A_52 = tpu.memref_slice %arg5[%mul3A_51] : memref<6400000xf32, #tpu.memory_space<hbm>> -> memref<3200xf32, #tpu.memory_space<hbm>>
    tpu.wait_dma2 semaphore(%arg15 : memref<!tpu.dma_semaphore, #tpu.memory_space<semaphore_mem>>) src(%arg9 : memref<3200xf32, #tpu.memory_space<vmem>>) dst(%dma_wait3A_52 : memref<3200xf32, #tpu.memory_space<hbm>>)
    %sub3A_53 = arith.constant 1 : i32
    %sub3A_54 = arith.subi %add3A_4, %sub3A_53 : i32
    %sub3A_55 = arith.constant 2 : i32
    %sub3A_56 = arith.subi %add3A_4, %sub3A_55 : i32
    %select_n3A_57 = arith.select %eq3A_42, %sub3A_54, %sub3A_56 : i32
    %mul3A_58 = arith.constant 32 : i32
    %mul3A_59 = arith.muli %mul3A_58, %select_n3A_57 : i32
    %add3A_60 = arith.addi %add3A, %mul3A_59 : i32
    %mul3A_61 = arith.constant 3200 : i32
    %mul3A_62 = arith.muli %add3A_60, %mul3A_61 : i32
    %dma_wait3A_63 = tpu.memref_slice %arg5[%mul3A_62] : memref<6400000xf32, #tpu.memory_space<hbm>> -> memref<3200xf32, #tpu.memory_space<hbm>>
    %dma_wait3A_64 = tpu.memref_slice %arg5[%mul3A_62] : memref<6400000xf32, #tpu.memory_space<hbm>> -> memref<3200xf32, #tpu.memory_space<hbm>>
    tpu.wait_dma2 semaphore(%arg16 : memref<!tpu.dma_semaphore, #tpu.memory_space<semaphore_mem>>) src(%arg12 : memref<3200xf32, #tpu.memory_space<vmem>>) dst(%dma_wait3A_64 : memref<3200xf32, #tpu.memory_space<hbm>>)
    return
  }
}

module attributes {stable_mosaic.version = 14 : i64} {
  func.func @_node_tab_body(%arg0: i32, %arg1: memref<16x128xi32, #tpu.memory_space<vmem>>, %arg2: memref<8x128xf32, #tpu.memory_space<vmem>>, %arg3: memref<1x10x100000xf32, #tpu.memory_space<vmem>>, %arg4: memref<1x1x100000xf32, #tpu.memory_space<vmem>>) attributes {dimension_semantics = [#tpu.dimension_semantics<arbitrary>], iteration_bounds = array<i64: 1>, scalar_prefetch = 0 : i64, scratch_operands = 0 : i64, tpu.core_type = #tpu.core_type<tc>, window_params = [{pipeline_mode = #tpu.pipeline_mode<synchronous>, transform_indices = @transform_0, window_bounds = array<i64: 16, 128>}, {pipeline_mode = #tpu.pipeline_mode<synchronous>, transform_indices = @transform_1, window_bounds = array<i64: 8, 128>}, {pipeline_mode = #tpu.pipeline_mode<synchronous>, transform_indices = @transform_2, window_bounds = array<i64: 1, 10, 100000>}, {pipeline_mode = #tpu.pipeline_mode<synchronous>, transform_indices = @transform_3, window_bounds = array<i64: 1, 1, 100000>}]} {
    %get3A = arith.constant 0 : index
    %get3A_0 = arith.constant 0 : index
    %get3A_1 = arith.constant 0 : index
    %get3A_2 = vector.load %arg3[%get3A, %get3A_0, %get3A_1] : memref<1x10x100000xf32, #tpu.memory_space<vmem>>, vector<1x10x100000xf32>
    %get3A_3 = vector.shape_cast %get3A_2 : vector<1x10x100000xf32> to vector<10x100000xf32>
    %reduce_max3A = arith.constant dense<0xFF800000> : vector<100000xf32>
    %reduce_max3A_4 = vector.multi_reduction <maximumf>, %get3A_3, %reduce_max3A [0] : vector<10x100000xf32> to vector<100000xf32>
    %broadcast_in_dim3A = vector.shape_cast %reduce_max3A_4 : vector<100000xf32> to vector<1x100000xf32>
    %iota3A = tpu.iota {dimensions = array<i32: 0>} : vector<10x100000xi32>
    %eq3A = vector.broadcast %broadcast_in_dim3A : vector<1x100000xf32> to vector<10x100000xf32>
    %eq3A_5 = arith.cmpf oeq, %get3A_3, %eq3A : vector<10x100000xf32>
    %jit3A = arith.constant 10 : i32
    %broadcast_in_dim3A_6 = vector.broadcast %jit3A : i32 to vector<10x100000xi32>
    %select_n3A = arith.select %eq3A_5, %iota3A, %broadcast_in_dim3A_6 : vector<10x100000xi1>, vector<10x100000xi32>
    %reduce_min3A = arith.constant dense<2147483647> : vector<100000xi32>
    %reduce_min3A_7 = vector.multi_reduction <minsi>, %select_n3A, %reduce_min3A [0] : vector<10x100000xi32> to vector<100000xi32>
    %broadcast_in_dim3A_8 = vector.shape_cast %reduce_min3A_7 : vector<100000xi32> to vector<1x100000xi32>
    %get3A_9 = arith.constant 0 : index
    %get3A_10 = arith.constant 0 : index
    %get3A_11 = vector.load %arg1[%get3A_9, %get3A_10] : memref<16x128xi32, #tpu.memory_space<vmem>>, vector<16x128xi32>
    %iota3A_12 = tpu.iota {dimensions = array<i32: 1>} : vector<16x128xi32>
    %get3A_13 = arith.constant 0 : index
    %get3A_14 = arith.constant 0 : index
    %get3A_15 = vector.load %arg2[%get3A_13, %get3A_14] : memref<8x128xf32, #tpu.memory_space<vmem>>, vector<1x128xf32>
    %eq3A_16 = arith.cmpi eq, %get3A_11, %iota3A_12 : vector<16x128xi32>
    %jit3A_17 = arith.constant 0.000000e+00 : f32
    %broadcast_in_dim3A_18 = vector.shape_cast %get3A_15 : vector<1x128xf32> to vector<1x128xf32>
    %broadcast_in_dim3A_19 = vector.broadcast %broadcast_in_dim3A_18 : vector<1x128xf32> to vector<16x128xf32>
    %broadcast_in_dim3A_20 = vector.broadcast %jit3A_17 : f32 to vector<16x128xf32>
    %select_n3A_21 = arith.select %eq3A_16, %broadcast_in_dim3A_19, %broadcast_in_dim3A_20 : vector<16x128xi1>, vector<16x128xf32>
    %reduce_sum3A = arith.constant dense<0.000000e+00> : vector<16xf32>
    %reduce_sum3A_22 = vector.multi_reduction <add>, %select_n3A_21, %reduce_sum3A [1] : vector<16x128xf32> to vector<16xf32>
    %broadcast_in_dim3A_23 = vector.shape_cast %reduce_sum3A_22 : vector<16xf32> to vector<16x1xf32>
    %slice3A = vector.extract_strided_slice %broadcast_in_dim3A_23 {offsets = [0, 0], sizes = [10, 1], strides = [1, 1]} : vector<16x1xf32> to vector<10x1xf32>
    %eq3A_24 = vector.broadcast %broadcast_in_dim3A_8 : vector<1x100000xi32> to vector<10x100000xi32>
    %eq3A_25 = arith.cmpi eq, %eq3A_24, %iota3A : vector<10x100000xi32>
    %jit3A_26 = arith.constant 0.000000e+00 : f32
    %broadcast_in_dim3A_27 = vector.shape_cast %slice3A : vector<10x1xf32> to vector<10x1xf32>
    %broadcast_in_dim3A_28 = vector.broadcast %broadcast_in_dim3A_27 : vector<10x1xf32> to vector<10x100000xf32>
    %broadcast_in_dim3A_29 = vector.broadcast %jit3A_26 : f32 to vector<10x100000xf32>
    %select_n3A_30 = arith.select %eq3A_25, %broadcast_in_dim3A_28, %broadcast_in_dim3A_29 : vector<10x100000xi1>, vector<10x100000xf32>
    %reduce_sum3A_31 = arith.constant dense<0.000000e+00> : vector<100000xf32>
    %reduce_sum3A_32 = vector.multi_reduction <add>, %select_n3A_30, %reduce_sum3A_31 [0] : vector<10x100000xf32> to vector<100000xf32>
    %broadcast_in_dim3A_33 = vector.shape_cast %reduce_sum3A_32 : vector<100000xf32> to vector<1x100000xf32>
    %mul3A = arith.constant 2.500000e-01 : f32
    %mul3A_34 = vector.broadcast %mul3A : f32 to vector<1x100000xf32>
    %mul3A_35 = arith.mulf %broadcast_in_dim3A_33, %mul3A_34 : vector<1x100000xf32>
    %swap3A = arith.constant 0 : index
    %swap3A_36 = arith.constant 0 : index
    %swap3A_37 = arith.constant 0 : index
    %swap3A_38 = vector.load %arg4[%swap3A, %swap3A_36, %swap3A_37] : memref<1x1x100000xf32, #tpu.memory_space<vmem>>, vector<1x1x100000xf32>
    %swap3A_39 = vector.shape_cast %swap3A_38 : vector<1x1x100000xf32> to vector<1x100000xf32>
    %swap3A_40 = vector.shape_cast %mul3A_35 : vector<1x100000xf32> to vector<1x1x100000xf32>
    tpu.vector_store %arg4[%swap3A, %swap3A_36, %swap3A_37], %swap3A_40 {strides = array<i32>} : memref<1x1x100000xf32, #tpu.memory_space<vmem>>, vector<1x1x100000xf32>,
    return
  }
  func.func @transform_0(%arg0: i32) -> (i32, i32) {
    %c0_i32 = arith.constant 0 : i32
    %c0_i32_0 = arith.constant 0 : i32
    %c0_i32_1 = arith.constant 0 : i32
    return %c0_i32, %c0_i32_0 : i32, i32
  }
  func.func @transform_1(%arg0: i32) -> (i32, i32) {
    %c0_i32 = arith.constant 0 : i32
    %c0_i32_0 = arith.constant 0 : i32
    %c0_i32_1 = arith.constant 0 : i32
    return %c0_i32, %c0_i32_0 : i32, i32
  }
  func.func @transform_2(%arg0: i32) -> (i32, i32, i32) {
    %c0_i32 = arith.constant 0 : i32
    %c0_i32_0 = arith.constant 0 : i32
    %c0_i32_1 = arith.constant 0 : i32
    %c0_i32_2 = arith.constant 0 : i32
    return %c0_i32, %c0_i32_0, %c0_i32_1 : i32, i32, i32
  }
  func.func @transform_3(%arg0: i32) -> (i32, i32, i32) {
    %c0_i32 = arith.constant 0 : i32
    %c0_i32_0 = arith.constant 0 : i32
    %c0_i32_1 = arith.constant 0 : i32
    %c0_i32_2 = arith.constant 0 : i32
    return %c0_i32, %c0_i32_0, %c0_i32_1 : i32, i32, i32
  }
}

</mosaic_0001>

<sc_bundles>
// kernel: kernel.4.cloned.1.call-start
scs
__scs_entry_jumppad:
0x0: {  	(pc) =	sbr.rel $0x88, $3  }
0x1: {  	(tag) =	ssettag $0x0;
	lr =	simm.s32 $0x1  }
0x2: {  	[smem:$0x3F9D] =	sst lr;
	_ =	strace $0xD0000000  }
0x3: {  	_ = 	snop  }
0x4: {  	_ = 	snop  }
0x5: {  	_ = 	snop  }
0x6: {  	_ = 	snop  }
0x7: {  	_ = 	snop  }
__scs_overlays_trampoline_lowered:
0x8: {  	[smem:$0x3FAC] =	sst s0  }
0x9: {  	[smem:$0x3FAD] =	sst s1  }
0xa: {  	[smem:$0x3FAE] =	sst s2  }
0xb: {  	[smem:$0x3FAF] =	sst s3  }
0xc: {  	[smem:$0x3FB0] =	sst s4  }
0xd: {  	[smem:$0x3FB1] =	sst s5  }
0xe: {  	[smem:$0x3FB2] =	sst s6  }
0xf: {  	[smem:$0x3FB3] =	sst s7  }
0x10: {  	[smem:$0x3FB4] =	sst s8  }
0x11: {  	[smem:$0x3FB5] =	sst s9;
	s0 =	simm.s32 @!p0 $0x0  }
0x12: {  	s1 =	sld [smem:$0x3F9B];
	s0 =	simm.s32 @p0 $0x1  }
0x13: {  	[smem:$0x3FB6] =	sst s0;
	s0 =	simm.s32 @!p1 $0x0  }
0x14: {  	s2 =	sld [smem:$0x3F9A];
	s0 =	simm.s32 @p1 $0x1  }
0x15: {  	[smem:$0x3FB7] =	sst s0;
	s0 =	simm.s32 @!p2 $0x0  }
0x16: {  	s3 =	sld [smem:$0x3FDB];
	s0 =	simm.s32 @p2 $0x1  }
0x17: {  	s4 =	simm.s32 $0x1BF5;
	[smem:$0x3FB9] =	sst s0  }
0x18: {  	s0 =	sld [smem:$0x3F9C];
	_ =	swait.ge [sflag:s4], $0x0  }
0x19: {  	s7 =	sld [smem:$0x3F9D]  }
0x1a: {  	s8 =	sadd.s32 $0xFFFFE003, lr  }
0x1b: {  	s9 =	sadd.s32 $0xFFFFFEF7, lr;
	s5 =	simm.s32 $0xFFFFFFFF;
	p2 =	slt.u32 s8, $0xFFFFF086  }
0x1c: {  	p1 =	slt.u32 s9, $0xF7A;
	s5 =	simm.s32 @!p2 $0x0  }
0x1d: {  	s5 =	simm.s32 @p1 $0x1;
	p0 =	seq.s32 s7, s2  }
0x1e: {  	s7 =	smul.u32 @!p0 $0xF7A, s2;
	p2 =	seq.s32 @!p0 s5, $0x0  }
0x1f: {  	s9 =	smul.u32 $0xF7A, s1;
	s8 =	simm.s32 @!p0 $0x1BF5;
	p2 =	por !p2, p0  }
0x20: {  	[sflag:s8] =	ssyncset.s32 @!p0 $0xFFFFF086;
	s6 =	sadd.s32 @!p0 s3, s7;
	s7 =	simm.s32 @!p0 $0x108  }
0x21: {  	s3 =	sadd.s32 s3, s9;
	s6 =	sadd.s32 @!p0 $0x88, s6;
	s7 =	simm.s32 @p2 $0x1082  }
0x22: {  	[simem:s7], [sflag:s8] =	dma.local @!p0 [hbm:s6], $0xF7A  }
0x23: {  	s9 =	sor.u32 $0xD0000000, s2;
	s6 =	simm.s32 $0x108;
	_ =	swait.ge @!p0 [sflag:s8], $0x0  }
0x24: {  	s3 =	sadd.s32 $0x88, s3;
	s6 =	simm.s32 @!p1 $0x1082;
	[sflag:s4] =	ssyncset.s32 $0xFFFFF086  }
0x25: {  	[simem:s6], [sflag:s4] =	dma.local [hbm:s3], $0xF7A  }
0x26: {  	[smem:$0x3F9D] =	sst s1;
	(tag) =	ssettag s2;
	_ =	strace s9  }
0x27: {  	s1 =	sld [smem:$0x3FAD]  }
0x28: {  	s2 =	sld [smem:$0x3FAE]  }
0x29: {  	s4 =	sld [smem:$0x3FB0]  }
0x2a: {  	p0 =	seq.s32 s5, $0x0;
	s5 =	sld [smem:$0x3FB1]  }
0x2b: {  	s6 =	sld [smem:$0x3FB2]  }
0x2c: {  	s7 =	sld [smem:$0x3FB3]  }
0x2d: {  	s3 =	simm.s32 $0x108;
	s8 =	sld [smem:$0x3FB4]  }
0x2e: {  	s3 =	simm.s32 @!p0 $0x1082;
	s9 =	sld [smem:$0x3FB5]  }
0x2f: {  	lr =	sadd.s32 s0, s3;
	s0 =	sld [smem:$0x3FAC]  }
0x30: {  	s3 =	sld [smem:$0x3FAF]  }
0x31: {  	[smem:$0x3FB8] =	sst s10  }
0x32: {  	s10 =	sld [smem:$0x3FB6];
	_ =	sdelay $0x3  }
0x33: {  	p0 =	seq.s32 s10, $0x1;
	s10 =	sld [smem:$0x3FB8];
	_ =	sdelay $0x3  }
0x34: {  	[smem:$0x3FB8] =	sst s10  }
0x35: {  	s10 =	sld [smem:$0x3FB7];
	_ =	sdelay $0x3  }
0x36: {  	p1 =	seq.s32 s10, $0x1;
	s10 =	sld [smem:$0x3FB8];
	_ =	sdelay $0x3  }
0x37: {  	[smem:$0x3FB8] =	sst s10  }
0x38: {  	s10 =	sld [smem:$0x3FB9]  }
0x39: {  	_ = 	snop;
	(pc) =	sbr.ind lr, $3  }
0x3a: {  	_ = 	snop  }
0x3b: {  	_ = 	snop  }
0x3c: {  	p2 =	seq.s32 s10, $0x1;
	s10 =	sld [smem:$0x3FB8]  }
0x3d: {  	_ =	shalt  }
0x3e: {  	_ =	shalt  }
0x3f: {  	_ =	shalt  }
0x40: {  	_ =	shalt  }
0x41: {  	_ =	shalt  }
0x42: {  	_ =	shalt  }
0x43: {  	_ =	shalt  }
0x44: {  	_ =	shalt  }
0x45: {  	_ =	shalt  }
0x46: {  	_ =	shalt  }
0x47: {  	_ =	shalt  }
0x48: {  	_ =	shalt  }
0x49: {  	_ =	shalt  }
0x4a: {  	_ =	shalt  }
0x4b: {  	_ =	shalt  }
0x4c: {  	_ =	shalt  }
0x4d: {  	_ =	shalt  }
0x4e: {  	_ =	shalt  }
0x4f: {  	_ =	shalt  }
0x50: {  	_ =	shalt  }
0x51: {  	_ =	shalt  }
0x52: {  	_ =	shalt  }
0x53: {  	_ =	shalt  }
0x54: {  	_ =	shalt  }
0x55: {  	_ =	shalt  }
0x56: {  	_ =	shalt  }
0x57: {  	_ =	shalt  }
0x58: {  	_ =	shalt  }
0x59: {  	_ =	shalt  }
0x5a: {  	_ =	shalt  }
0x5b: {  	_ =	shalt  }
0x5c: {  	_ =	shalt  }
0x5d: {  	_ =	shalt  }
0x5e: {  	_ =	shalt  }
0x5f: {  	_ =	shalt  }
0x60: {  	_ =	shalt  }
0x61: {  	_ =	shalt  }
0x62: {  	_ =	shalt  }
0x63: {  	_ =	shalt  }
0x64: {  	_ =	shalt  }
0x65: {  	_ =	shalt  }
0x66: {  	_ =	shalt  }
0x67: {  	_ =	shalt  }
0x68: {  	_ =	shalt  }
0x69: {  	_ =	shalt  }
0x6a: {  	_ =	shalt  }
0x6b: {  	_ =	shalt  }
0x6c: {  	_ =	shalt  }
0x6d: {  	_ =	shalt  }
0x6e: {  	_ =	shalt  }
0x6f: {  	_ =	shalt  }
0x70: {  	_ =	shalt  }
0x71: {  	_ =	shalt  }
0x72: {  	_ =	shalt  }
0x73: {  	_ =	shalt  }
0x74: {  	_ =	shalt  }
0x75: {  	_ =	shalt  }
0x76: {  	_ =	shalt  }
0x77: {  	_ =	shalt  }
0x78: {  	_ =	shalt  }
0x79: {  	_ =	shalt  }
0x7a: {  	_ =	shalt  }
0x7b: {  	_ =	shalt  }
0x7c: {  	_ =	shalt  }
0x7d: {  	_ =	shalt  }
0x7e: {  	_ =	shalt  }
0x7f: {  	_ =	shalt  }
0x80: {  	_ =	shalt  }
0x81: {  	_ =	shalt  }
0x82: {  	_ =	shalt  }
0x83: {  	_ =	shalt  }
0x84: {  	_ =	shalt  }
0x85: {  	_ =	shalt  }
0x86: {  	_ =	shalt  }
0x87: {  	_ =	shalt  }
.Lfunc_end0:
.L_simem_size_0:
called_computation_lowered:
.L_overlay_start_0:
0x88: {  	s2 =	sld [smem:$0x3FD9]  }
0x89: {  	s3 =	sld [smem:$0x3FFE];
	_ =	sdelay $0x1  }
0x8a: {  	s1 =	srdreg.scid  }
0x8b: {  	s0 =	sand.u32 $0x1, s1  }
0x8c: {  	s17 =	sshll.u32 s0, $0xA;
	s2 =	sadd.s32 s3, s2  }
0x8d: {  	s2 =	sadd.s32 s2, s17  }
0x8e: {  	[smem:$0x3FC4] =	sst s2  }
0x8f: {  	_ = 	snop  }
0x90: {  	s2 =	sld [smem:$0x3FC9]  }
0x91: {  	s18 =	sld [smem:$0x3FC7]  }
0x92: {  	s4 =	sld [smem:$0x3FD0];
	(tm) =	ssettm $0x1  }
0x93: {  	s5 =	sld [smem:$0x3FFB];
	_ =	sdelay $0x3  }
0x94: {  	_ =	strace s5  }
0x95: {  	s5 =	sld [smem:$0x3FFC];
	_ =	sdelay $0x3  }
0x96: {  	_ =	strace s5  }
0x97: {  	s5 =	sld [smem:$0x3FFD];
	_ =	sdelay $0x3  }
0x98: {  	_ =	strace s5  }
0x99: {  	_ =	strace $0x8FFFFFFF  }
0x9a: {  	s19 =	sld [smem:$0x3FDB];
	_ =	sdelay $0x1  }
0x9b: {  	s6 =	simm.s32 $_scs_section_size  }
0x9c: {  	s7 =	simm.s32 $_size__tile_overlayer_lowered;
	s8 =	simm.s32 $_tile_overlayer_lowered  }
0x9d: {  	s22 =	simm.s32 $0x1BFF;
	s21 =	sshll.u32 s8, $0x1;
	s5 =	sadd.s32 s6, s19  }
0x9e: {  	s9 =	simm.s32 $0x0;
	s20 =	sshll.u32 s7, $0x1;
	s7 =	sadd.s32 s21, s5  }
0x9f: {  	[timem:s9], [sflag:s22] =	dma.local [hbm:s7], s20  }
0xa0: {  	_ =	swait.ge [sflag:s22], s20  }
0xa1: {  	s6 =	ssub.s32 $0x0, s20;
	[sflag:s22] =	ssyncset.done $0x0  }
0xa2: {  	[sflag:s22] =	ssyncadd.s32 s6;
	_ =	sdelay $0x1  }
0xa3: {  	s23 =	simm.s32 $0x1B8B  }
0xa4: {  	_ =	swait.ge [sflag:s23], $0x1  }
0xa5: {  	[sflag:s23] =	ssyncset.done $0x0  }
0xa6: {  	s25 =	simm.s32 $0x1B8E;
	s24 =	sld [smem:$0x3FFE];
	[sflag:s23] =	ssyncadd.s32 $0xFFFFFFFF  }
0xa7: {  	s26 =	simm.s32 $execute0_lowered;
	[smem:$0x3FD2] =	sst s25  }
0xa8: {  	s7 =	sshll.u32 s26, $0x1;
	_ =	strace $0x80000046;
	[dreg:$0x1] =	wrdreg $0xFFFFFFFF  }
0xa9: {  	s28 =	simm.s32 $_size_execute0_lowered;
	s5 =	sadd.s32 s5, s7;
	[dreg:$0x0] =	wrdreg $0x0  }
0xaa: {  	s7 =	sshll.u32 s28, $0x1;
	[dreg:$0x2] =	wrdreg s5  }
0xab: {  	[dreg:$0x3] =	wrdreg s7  }
0xac: {  	[dreg:$0x4] =	wrdreg $0xC0  }
0xad: {  	_ =	task [dreg:s9], $0x5FFFF  }
0xae: {  	[dreg:$0x1] =	wrdreg $0xFFFFFFFF  }
0xaf: {  	[dreg:$0x0] =	wrdreg $0x60  }
0xb0: {  	[dreg:$0x2] =	wrdreg s24  }
0xb1: {  	[dreg:$0x3] =	wrdreg s18  }
0xb2: {  	[dreg:$0x4] =	wrdreg s2  }
0xb3: {  	[dreg:$0x5] =	wrdreg s4  }
0xb4: {  	[dreg:$0x6] =	wrdreg $0x9  }
0xb5: {  	_ =	task.clear_ibuf [dreg:s9], $0x7FFFF;
	_ =	strace $0x90000046  }
0xb6: {  	s29 =	simm.s32 $0x9;
	_ =	strace $0x80000048  }
0xb7: {  	_ =	swait.ge [sflag:s29], $0x1  }
0xb8: {  	[sflag:s29] =	ssyncadd.s32 $0xFFFFFFFF  }
0xb9: {  	_ =	strace $0x90000048  }
0xba: {  	_ =	sfence  }
0xbb: {  	s30 =	sld [smem:$0x0];
	_ =	sdelay $0x2  }
0xbc: {  	s31 =	sshll.u32 s1, $0xD;
	s1 =	sshrl.u32 s1, $0x2  }
0xbd: {  	s3 =	sand.u32 $0x4000, s31;
	s1 =	sadd.s32 s1, s30  }
0xbe: {  	s0 =	sor.u32 s3, s0;
	s1 =	sshll.u32 s1, $0x11  }
0xbf: {  	s0 =	sor.u32 s1, s0  }
0xc0: {  	s0 =	sadd.s32 $0x8F2B, s0  }
0xc1: {  	[sflag:s0] =	ssyncadd.remote.s32 $0x1  }
0xc2: {  	_ =	sfence.sel $0xFFFF  }
0xc3: {  	[dreg:$0x0] =	wrdreg $0xFFFFFFFF;
	(pc) =	sbr.abs _section_cstart, $3  }
0xc4: {  	[dreg:$0x1] =	wrdreg $0xFFFFFFFF  }
0xc5: {  	_ =	task.clear_ibuf [dreg:s9], $0x2FFFF;
	_ =	strace $0x9FFFFFFF  }
0xc6: {  	(tm) =	ssettm $0x7FFFFFFF  }
0xc7: {  	_ =	shalt  }
tec
execute0_lowered:
.L_overlay_start_1:
0x0: {  	(tag) =	ssettag $0x1  }
0x1: {  	s0 =	rddreg [dreg:$0x0]  }
0x2: {  	s1 =	rddreg [dreg:$0x1]  }
0x3: {  	s3 =	rddreg [dreg:$0x2]  }
0x4: {  	s4 =	rddreg [dreg:$0x3];
	s2 =	srdreg.scid  }
0x5: {  	s10 =	stileid.u32;
	s5 =	simm.s32 $0x0;
	s16 =	simm.s32 $0x1B900  }
0x6: {  	s17 =	simm.s32 $0x1D200;
	s18 =	simm.s32 $0x5;
	s19 =	simm.s32 $0x1  }
0x7: {  	s20 =	simm.s32 $0x1AC80;
	s21 =	simm.s32 $0x2;
	s22 =	simm.s32 $0x1DE80  }
0x8: {  	s23 =	simm.s32 $0x3;
	s2 =	sand.u32 $0x1, s2;
	s6 =	sshll.u32 s10, $0x1  }
0x9: {  	s24 =	simm.s32 $0x4;
	s25 =	simm.s32 $0x0;
	s6 =	sor.u32 s2, s6  }
0xa: {  	[smem:$0x7FF] =	sst s5;
	s7 =	sadd.s32 $0x400, s0;
	s9 =	smul.u32 $0x320, s6  }
0xb: {  	p0 =	slt.u32 s10, $0x8;
	s8 =	ssub.s32 $0x2, s2;
	s30 =	smul.u32 $0xC80, s6  }
.Ltmp0:
0xc: {  	_ =	strace $0x80000047;
	s28 =	sshrl.u32 s8, $0x1;
	(pc) =	sbr.rel .LBB2_1-.Ltmp0, $4  }
0xd: {  	s31 =	smul.u32 $0x190, s6;
	s29 =	ssub.s32 s8, s28;
	s8 =	simm.s32 $0x3F  }
0xe: {  	s8 =	simm.s32 @!p0 $0x3E;
	s9 =	sadd.s32 s1, s9;
	s2 =	sadd.s32 $0x19000, s30  }
0xf: {  	s10 =	sadd.s32 s3, s31;
	s11 =	sshrl.u32 s2, $0x2;
	s2 =	sshrl.u32 s2, $0x3  }
0x10: {  	s13 =	smax.u32 s29, $0x1;
	s11 =	sadd.s32 s1, s11;
	s12 =	sadd.s32 s3, s2  }
.LBB2_11:
0x11: {  	s25 =	sadd.s32 $0x1, s25  }
0x12: {  	_ =	swait.ge [sflag:s23], $0xC80;
	p0 =	sne.s32 s25, s13  }
.Ltmp1:
0x13: {  	[sflag:s23] =	ssyncset.done $0x0;
	(pc) =	sbr.rel @!p0 .LBB2_12-.Ltmp1, $4  }
0x14: {  	[sflag:s23] =	ssyncadd.s32 $0xFFFFF380  }
0x15: {  	_ =	swait.ge [sflag:s24], $0xC80  }
0x16: {  	[sflag:s24] =	ssyncset.done $0x0  }
0x17: {  	[sflag:s24] =	ssyncadd.s32 $0xFFFFF380  }
.LBB2_1:
0x18: {  	[tilespmem:s5], [sflag:$0x5] =	stream.linear.gather [hbm4b:s7+s5], $0x18700, $0x38;
	[tilespmem:$0x1EB00] =	vst v63  }
0x19: {  	s0 =	simm.s32 $0x18700  }
0x1a: {  	[tilespmem:s0], [sflag:$0x1] =	stream.linear.gather [hbm4b:s9+s5], $0x1900, $0x38;
	[tilespmem:$0x1EB00] =	vst v63  }
0x1b: {  	s31 =	simm.s32 $0x1A000  }
0x1c: {  	[tilespmem:s31], [sflag:$0x1] =	stream.linear.gather [hbm4b:s10+s5], $0xC80, $0x38;
	[tilespmem:$0x1EB00] =	vst v63  }
0x1d: {  	_ = 	snop  }
0x1e: {  	[tilespmem:s16], [sflag:$0x2] =	stream.linear.gather [hbm4b:s11+s5], $0x1900, $0x38;
	[tilespmem:$0x1EB00] =	vst v63  }
.Ltmp2:
0x1f: {  	_ = 	snop;
	(pc) =	sbr.rel .LBB2_2-.Ltmp2, $4  }
0x20: {  	[tilespmem:s17], [sflag:$0x2] =	stream.linear.gather [hbm4b:s12+s5], $0xC80, $0x38;
	[tilespmem:$0x1EB00] =	vst v63  }
0x21: {  	_ =	swait.ge [sflag:s18], $0x18700  }
0x22: {  	[sflag:s18] =	ssyncset.done $0x0  }
0x23: {  	s26 =	simm.s32 $0x0;
	[sflag:s18] =	ssyncadd.s32 $0xFFFE7900  }
.LBB2_10:
0x24: {  	s26 =	sadd.s32 $0x1, s26  }
0x25: {  	p0 =	sne.s32 s26, $0x20  }
.Ltmp3:
0x26: {  	_ = 	snop;
	(pc) =	sbr.rel @!p0 .LBB2_11-.Ltmp3, $1  }
0x27: {  	_ =	sdelay $0x3  }
.LBB2_2:
0x28: {  	s28 =	sshll.u32 s26, $0x1  }
0x29: {  	p0 =	sge.u32 s28, s8  }
.Ltmp4:
0x2a: {  	_ = 	snop;
	(pc) =	sbr.rel @p0 .LBB2_6-.Ltmp4, $1  }
0x2b: {  	_ =	sdelay $0x3  }
0x2c: {  	_ =	swait.ge [sflag:s19], $0x1900  }
0x2d: {  	[sflag:s19] =	ssyncset.done $0x0  }
0x2e: {  	[sflag:s19] =	ssyncadd.s32 $0xFFFFE700  }
0x2f: {  	_ =	swait.ge [sflag:s19], $0xC80  }
0x30: {  	p0 =	seq.s32 s26, $0x0;
	[sflag:s19] =	ssyncset.done $0x0  }
0x31: {  	s0 =	simm.s32 @!p0 $0x3;
	[sflag:s19] =	ssyncadd.s32 $0xFFFFF380  }
0x32: {  	_ =	swait.ge @!p0 [sflag:s0], $0xC80  }
0x33: {  	[sflag:s0] =	ssyncset.done @!p0 $0x0  }
0x34: {  	s15 =	simm.s32 $0x18780;
	[sflag:s0] =	ssyncadd.s32 @!p0 $0xFFFFF380  }
0x35: {  	v0 =	vld [tilespmem:s15+$0xFFFFFFF0]  }
0x36: {  	v1 =	vld [tilespmem:s15+$0xFFFFFFD0]  }
0x37: {  	v2 =	vld [tilespmem:s15+$0x50]  }
0x38: {  	v3 =	vld [tilespmem:s15+$0x70]  }
0x39: {  	v4 =	vld [tilespmem:s15+$0xFFFFFFB0]  }
0x3a: {  	v5 =	vld [tilespmem:s15+$0xFFFFFF80]  }
0x3b: {  	v6 =	vld [tilespmem:s15+$0xFFFFFF90]  }
0x3c: {  	v7 =	vld [tilespmem:s15+$0x10]  }
0x3d: {  	v8 =	vld [tilespmem:s15+$0x0]  }
0x3e: {  	v10 =	vld [tilespmem:s15+$0xFFFFFFC0]  }
0x3f: {  	v11 =	vld [tilespmem:s15+$0x30]  }
0x40: {  	v12 =	vld [tilespmem:s15+$0x20]  }
0x41: {  	v13 =	vld [tilespmem:s15+$0xFFFFFFA0]  }
0x42: {  	s2 =	simm.s32 $0x1A040;
	v20 =	vld [tilespmem:s15+$0xFFFFFFE0]  }
0x43: {  	v14 =	vld [tilespmem:s2+$0x10]  }
0x44: {  	s14 =	simm.s32 $0x18880;
	v22 =	vld [tilespmem:s2+$0xFFFFFFD0]  }
0x45: {  	v23 =	vld [tilespmem:s14+$0x40]  }
0x46: {  	v26 =	vld [tilespmem:s14+$0xFFFFFFC0]  }
0x47: {  	v28 =	vld [tilespmem:s14+$0x30]  }
0x48: {  	v9 =	vld.idx.msk [tilespmem:v0+s5+$0x0], $0xffff  }
0x49: {  	v0 =	vld [tilespmem:s15+$0x40]  }
0x4a: {  	v5 =	vld.idx.msk [tilespmem:v5+s5+$0x0], $0xffff  }
0x4b: {  	v2 =	vld.idx.msk [tilespmem:v2+s5+$0x0], $0xffff  }
0x4c: {  	v15 =	vld.idx.msk [tilespmem:v1+s5+$0x0], $0xffff  }
0x4d: {  	v10 =	vld.idx.msk [tilespmem:v10+s5+$0x0], $0xffff  }
0x4e: {  	v11 =	vld.idx.msk [tilespmem:v11+s5+$0x0], $0xffff  }
0x4f: {  	v4 =	vld.idx.msk [tilespmem:v4+s5+$0x0], $0xffff  }
0x50: {  	v17 =	vld.idx.msk [tilespmem:v12+s5+$0x0], $0xffff  }
0x51: {  	v18 =	vld.idx.msk [tilespmem:v13+s5+$0x0], $0xffff  }
0x52: {  	v19 =	vld.idx.msk [tilespmem:v3+s5+$0x0], $0xffff  }
0x53: {  	v3 =	vld [tilespmem:s15+$0x60]  }
0x54: {  	v7 =	vld.idx.msk [tilespmem:v7+s5+$0x0], $0xffff;
	v2 =	vadd.f32 v2, v15  }
0x55: {  	v6 =	vld.idx.msk [tilespmem:v6+s5+$0x0], $0xffff  }
0x56: {  	(erf) = vrcp.f32 v2;
	v16 =	vld.idx.msk [tilespmem:v0+s5+$0x0], $0xffff  }
0x57: {  	v8 =	vld.idx.msk [tilespmem:v8+s5+$0x0], $0xffff  }
0x58: {  	v13 =	vld [tilespmem:s2+$0xFFFFFFF0]  }
0x59: {  	v1 =	vld [tilespmem:s2+$0x20]  }
0x5a: {  	v12 =	vld [tilespmem:s2+$0x0]  }
0x5b: {  	v15 =	vld.idx.msk [tilespmem:v3+s5+$0x0], $0xffff;
	v3 =	vadd.f32 v16, v10  }
0x5c: {  	v23 =	vld.idx.msk [tilespmem:v23+s5+$0x0], $0xffff;
	v4 =	vadd.f32 v11, v4  }
0x5d: {  	v26 =	vld.idx.msk [tilespmem:v26+s5+$0x0], $0xffff;
	v11 =	vadd.f32 v17, v18;
	(erf) = vrcp.f32 v3  }
0x5e: {  	v28 =	vld.idx.msk [tilespmem:v28+s5+$0x0], $0xffff;
	(erf) = vrcp.f32 v4;
	v4 =	vadd.f32 v19, v9  }
0x5f: {  	v5 =	vadd.f32 v8, v5;
	v8 =	vld [tilespmem:s14+$0x50];
	v6 =	vadd.f32 v7, v6;
	v7 =	vpop (erf);
	(erf) = vrcp.f32 v11  }
0x60: {  	v11 =	vld [tilespmem:s14+$0xFFFFFF80];
	v7 =	vmul.f32 v7, v14;
	(erf) = vrcp.f32 v4  }
0x61: {  	v17 =	vld [tilespmem:s14+$0x10]  }
0x62: {  	v2 =	vld [tilespmem:s2+$0xFFFFFFC0];
	v19 =	vmul.f32 v7, v7  }
0x63: {  	v0 =	vld [tilespmem:s2+$0x30]  }
0x64: {  	v3 =	vld [tilespmem:s2+$0xFFFFFFE0];
	v19 =	vmul.f32 v19, v7  }
0x65: {  	v9 =	vld [tilespmem:s14+$0xFFFFFFD0];
	(erf) = vrcp.f32 v5  }
0x66: {  	v10 =	vld.idx.msk [tilespmem:v20+s5+$0x0], $0xffff;
	v7 =	vmul.f32 $-2.000000000e+00, v7;
	v19 =	vmul.f32 $4.000000060e-01, v19;
	v18 =	vpop (erf)  }
0x67: {  	v16 =	vld [tilespmem:s14+$0xFFFFFFF0];
	(erf) = vrcp.f32 v6;
	v18 =	vmul.f32 v18, v12;
	v21 =	vpop (erf)  }
0x68: {  	v29 =	vld.idx.msk [tilespmem:v11+s5+$0x0], $0xffff;
	v7 =	vsub.f32 v7, v19;
	v24 =	vpop (erf);
	v11 =	vmul.f32 v21, v13  }
0x69: {  	v20 =	vld [tilespmem:s14+$0x0];
	v25 =	vmul.f32 v18, v18;
	v27 =	vpop (erf);
	v24 =	vmul.f32 v24, v3  }
0x6a: {  	v8 =	vld.idx.msk [tilespmem:v8+s5+$0x0], $0xffff;
	v7 =	vmul.f32 $1.442695020e+00, v7;
	v27 =	vmul.f32 v27, v0  }
0x6b: {  	v10 =	vadd.f32 v15, v10;
	v5 =	vld [tilespmem:s14+$0xFFFFFFB0];
	v32 =	vmul.f32 v11, v11;
	v15 =	vmul.f32 v25, v18  }
0x6c: {  	v6 =	vld [tilespmem:s14+$0xFFFFFF90];
	v30 =	vmul.f32 v24, v24;
	v18 =	vmul.f32 $-2.000000000e+00, v18  }
0x6d: {  	v9 =	vld.idx.msk [tilespmem:v9+s5+$0x0], $0xffff;
	v33 =	vmul.f32 $-2.000000000e+00, v27;
	v32 =	vmul.f32 v32, v11  }
0x6e: {  	v4 =	vld [tilespmem:s14+$0x70];
	v11 =	vmul.f32 $-2.000000000e+00, v11;
	v34 =	vmul.f32 v27, v27  }
0x6f: {  	v25 =	vpop (erf);
	(erf) = vrcp.f32 v10;
	v10 =	vld [tilespmem:s14+$0xFFFFFFA0];
	v15 =	vmul.f32 $4.000000060e-01, v15  }
0x70: {  	v30 =	vmul.f32 v30, v24;
	v21 =	vmul.f32 v25, v2;
	v25 =	vld [tilespmem:s14+$0x20];
	v19 =	vpop (erf)  }
0x71: {  	v16 =	vld.idx.msk [tilespmem:v16+s5+$0x0], $0xffff;
	(erf) = vpow2.f32 v7;
	v19 =	vmul.f32 v19, v22;
	v15 =	vsub.f32 v18, v15  }
0x72: {  	v7 =	vadd.f32 v8, v9;
	v8 =	vld.idx.msk [tilespmem:v17+s5+$0x0], $0xffff;
	v17 =	vmul.f32 v34, v27;
	v18 =	vmul.f32 $4.000000060e-01, v32  }
0x73: {  	s15 =	simm.s32 $0x1A0C0;
	v5 =	vld.idx.msk [tilespmem:v5+s5+$0x0], $0xffff;
	v15 =	vmul.f32 $1.442695020e+00, v15;
	v36 =	vmul.f32 v19, v19  }
0x74: {  	v30 =	vmul.f32 $4.000000060e-01, v30;
	v31 =	vmul.f32 $-2.000000000e+00, v19;
	v18 =	vsub.f32 v11, v18;
	v11 =	vld [tilespmem:s15+$0xFFFFFFD0]  }
0x75: {  	(erf) = vpow2.f32 v15;
	v15 =	vld.idx.msk [tilespmem:v6+s5+$0x0], $0xffff;
	v6 =	vmul.f32 v36, v19  }
0x76: {  	v19 =	vadd.f32 v23, v26;
	v26 =	vmul.f32 v21, v21;
	(erf) = vrcp.f32 v7;
	v7 =	vld.idx.msk [tilespmem:v20+s5+$0x0], $0xffff  }
0x77: {  	v52 =	vmul.f32 $-2.000000000e+00, v21;
	v17 =	vmul.f32 $4.000000060e-01, v17;
	v35 =	vld.idx.msk [tilespmem:v10+s5+$0x0], $0xffff  }
0x78: {  	(erf) = vrcp.f32 v19;
	v21 =	vmul.f32 v26, v21;
	v25 =	vld.idx.msk [tilespmem:v25+s5+$0x0], $0xffff;
	v10 =	vpop (erf)  }
0x79: {  	v5 =	vadd.f32 v28, v5;
	v20 =	vld.idx.msk [tilespmem:v4+s5+$0x0], $0xffff;
	v9 =	vmul.f32 v10, v1;
	v10 =	vmul.f32 $-2.000000000e+00, v24  }
0x7a: {  	v18 =	vmul.f32 $1.442695020e+00, v18;
	v23 =	vmul.f32 $4.000000060e-01, v6;
	v19 =	vld [tilespmem:s14+$0xFFFFFFE0]  }
0x7b: {  	(erf) = vrcp.f32 v5;
	v24 =	vld [tilespmem:s14+$0x60];
	v21 =	vmul.f32 $4.000000060e-01, v21;
	s14 =	simm.s32 $0x18980;
	v6 =	vsub.f32 v10, v30  }
0x7c: {  	v17 =	vsub.f32 v33, v17;
	v56 =	vld [tilespmem:s14+$0x70];
	v4 =	vmul.f32 v9, v9;
	v27 =	vmul.f32 $-2.000000000e+00, v9  }
0x7d: {  	v21 =	vsub.f32 v52, v21;
	v28 =	vmul.f32 $1.442695020e+00, v6;
	v25 =	vadd.f32 v25, v35;
	v6 =	vld [tilespmem:s15+$0x10]  }
0x7e: {  	v5 =	vmul.f32 v4, v9;
	v9 =	vadd.f32 v20, v16;
	v16 =	vadd.f32 v7, v29;
	v7 =	vld [tilespmem:s15+$0x0]  }
0x7f: {  	v17 =	vmul.f32 $1.442695020e+00, v17;
	v26 =	vpop (erf);
	v58 =	vld [tilespmem:s14+$0xFFFFFFB0];
	(erf) = vrcp.f32 v25  }
0x80: {  	v10 =	vld [tilespmem:s15+$0xFFFFFFF0];
	v21 =	vmul.f32 $1.442695020e+00, v21;
	v20 =	vpop (erf);
	(erf) = vrcp.f32 v9;
	v9 =	vadd.f32 $1.000000000e+00, v26  }
0x81: {  	v8 =	vadd.f32 v8, v15;
	v37 =	vld [tilespmem:s14+$0xFFFFFF80];
	v25 =	vmul.f32 $4.000000060e-01, v5;
	v29 =	vpop (erf);
	(erf) = vrcp.f32 v16  }
0x82: {  	v59 =	vld [tilespmem:s14+$0xFFFFFF90];
	v16 =	vsub.f32 v31, v23;
	v23 =	vpop (erf);
	v15 =	vmul.f32 v29, v6;
	(erf) = vrcp.f32 v9  }
0x83: {  	v5 =	vld [tilespmem:s15+$0x30];
	v25 =	vsub.f32 v27, v25;
	v23 =	vmul.f32 v23, v7;
	(erf) = vrcp.f32 v8  }
0x84: {  	v19 =	vld.idx.msk [tilespmem:v19+s5+$0x0], $0xffff;
	v54 =	vpop (erf);
	v16 =	vmul.f32 $1.442695020e+00, v16;
	v29 =	vmul.f32 v15, v15  }
0x85: {  	v8 =	vld [tilespmem:s15+$0xFFFFFFE0];
	v25 =	vmul.f32 $1.442695020e+00, v25;
	v33 =	vmul.f32 v54, v10  }
0x86: {  	v24 =	vld.idx.msk [tilespmem:v24+s5+$0x0], $0xffff;
	v30 =	vmul.f32 $-2.000000000e+00, v15;
	v15 =	vmul.f32 v29, v15  }
0x87: {  	v9 =	vld [tilespmem:s15+$0xFFFFFFC0];
	v53 =	vmul.f32 v23, v23;
	(erf) = vpow2.f32 v16  }
0x88: {  	v61 =	vld [tilespmem:s14+$0x40];
	v27 =	vadd.f32 $1.000000000e+00, v20;
	v15 =	vmul.f32 $4.000000060e-01, v15;
	v55 =	vpop (erf);
	(erf) = vpow2.f32 v18  }
0x89: {  	v16 =	vld [tilespmem:s14+$0x50];
	v18 =	vmul.f32 v53, v23;
	v23 =	vmul.f32 $-2.000000000e+00, v23  }
0x8a: {  	v41 =	vld [tilespmem:s14+$0xFFFFFFC0];
	v57 =	vpop (erf);
	(erf) = vrcp.f32 v27;
	v27 =	vmul.f32 v55, v8  }
0x8b: {  	v29 =	vld [tilespmem:s14+$0xFFFFFFD0];
	v38 =	vpop (erf);
	(erf) = vpow2.f32 v25;
	v32 =	vmul.f32 v57, v5  }
0x8c: {  	v46 =	vld [tilespmem:s14+$0x20];
	v19 =	vadd.f32 v24, v19;
	v18 =	vmul.f32 $4.000000060e-01, v18;
	v25 =	vmul.f32 v38, v9  }
0x8d: {  	v4 =	vld [tilespmem:s15+$0x20];
	v15 =	vsub.f32 v30, v15;
	v39 =	vpop (erf);
	(erf) = vpow2.f32 v28;
	v28 =	vmul.f32 v27, v27  }
0x8e: {  	v31 =	vld [tilespmem:s14+$0xFFFFFFF0];
	v60 =	vpop (erf);
	v26 =	vmul.f32 v39, v26;
	(erf) = vrcp.f32 v19  }
0x8f: {  	v37 =	vld.idx.msk [tilespmem:v37+s5+$0x0], $0xffff;
	v19 =	vmul.f32 $1.442695020e+00, v15;
	v15 =	vmul.f32 v33, v33  }
0x90: {  	v30 =	vld [tilespmem:s14+$0x0];
	v44 =	vmul.f32 $-2.000000000e+00, v32;
	v38 =	vmul.f32 v60, v11  }
0x91: {  	v28 =	vmul.f32 v28, v27;
	v16 =	vld.idx.msk [tilespmem:v16+s5+$0x0], $0xffff;
	v40 =	vpop (erf);
	(erf) = vpow2.f32 v17  }
0x92: {  	v18 =	vsub.f32 v23, v18;
	v49 =	vmul.f32 $-2.000000000e+00, v25;
	v27 =	vmul.f32 $-2.000000000e+00, v27;
	v17 =	vld [tilespmem:s14+$0x30]  }
0x93: {  	v15 =	vmul.f32 v15, v33;
	v29 =	vld.idx.msk [tilespmem:v29+s5+$0x0], $0xffff;
	v43 =	vpop (erf);
	(erf) = vpow2.f32 v21  }
0x94: {  	v62 =	vld.idx.msk [tilespmem:v41+s5+$0x0], $0xffff;
	v33 =	vmul.f32 $-2.000000000e+00, v33;
	v18 =	vmul.f32 $1.442695020e+00, v18;
	v45 =	vadd.f32 $1.000000000e+00, v43  }
0x95: {  	v24 =	vld [tilespmem:s14+$0x10];
	v50 =	vmul.f32 v38, v38;
	v47 =	vmul.f32 $4.000000060e-01, v15  }
0x96: {  	v42 =	vmul.f32 $-2.000000000e+00, v38;
	v21 =	vld [tilespmem:s14+$0xFFFFFFA0];
	(erf) = vrcp.f32 v45;
	v45 =	vadd.f32 v26, v14;
	v14 =	vpop (erf)  }
0x97: {  	v23 =	vld.idx.msk [tilespmem:v61+s5+$0x0], $0xffff;
	v28 =	vmul.f32 $4.000000060e-01, v28;
	v38 =	vmul.f32 v50, v38;
	v33 =	vsub.f32 v33, v47;
	v48 =	vpop (erf)  }
0x98: {  	v36 =	vld.idx.msk [tilespmem:v58+s5+$0x0], $0xffff;
	v16 =	vadd.f32 v16, v29;
	v14 =	vmul.f32 v14, v20;
	v20 =	vadd.f32 $1.000000000e+00, v40;
	v15 =	vpop (erf)  }
0x99: {  	v29 =	vld.idx.msk [tilespmem:v30+s5+$0x0], $0xffff;
	v30 =	vmul.f32 v25, v25;
	(erf) = vpow2.f32 v19;
	v19 =	vadd.f32 $1.000000000e+00, v48;
	v63 =	vpop (erf)  }
0x9a: {  	v26 =	vmul.f32 v32, v32;
	v52 =	vld.idx.msk [tilespmem:v17+s5+$0x0], $0xffff;
	(erf) = vrcp.f32 v20;
	v17 =	vpop (erf)  }
0x9b: {  	v46 =	vld.idx.msk [tilespmem:v46+s5+$0x0], $0xffff;
	v33 =	vmul.f32 $1.442695020e+00, v33;
	(erf) = vrcp.f32 v19;
	v19 =	vadd.f32 $1.000000000e+00, v17  }
0x9c: {  	v57 =	vld [tilespmem:s14+$0xFFFFFFE0];
	v23 =	vadd.f32 v23, v62;
	v25 =	vmul.f32 v30, v25;
	(erf) = vpow2.f32 v18;
	v20 =	vpop (erf)  }
0x9d: {  	v31 =	vld.idx.msk [tilespmem:v31+s5+$0x0], $0xffff;
	v26 =	vmul.f32 v26, v32;
	(erf) = vrcp.f32 v19;
	v19 =	vadd.f32 $1.000000000e+00, v20  }
0x9e: {  	v54 =	vadd.f32 v14, v12;
	v60 =	vmul.f32 $4.000000060e-01, v25;
	v21 =	vld.idx.msk [tilespmem:v21+s5+$0x0], $0xffff;
	(erf) = vrcp.f32 v16  }
0x9f: {  	v24 =	vld.idx.msk [tilespmem:v24+s5+$0x0], $0xffff;
	v41 =	vmul.f32 v63, v4;
	(erf) = vrcp.f32 v19;
	v19 =	vadd.f32 v52, v36  }
0xa0: {  	v14 =	vld.idx.msk [tilespmem:v56+s5+$0x0], $0xffff;
	v55 =	vmul.f32 $4.000000060e-01, v26;
	v37 =	vadd.f32 v29, v37;
	v18 =	vsub.f32 v27, v28  }
0xa1: {  	v27 =	vmul.f32 $4.000000060e-01, v38;
	v28 =	vld.idx.msk [tilespmem:v59+s5+$0x0], $0xffff;
	v63 =	vsub.f32 v49, v60;
	v53 =	vmul.f32 $-2.000000000e+00, v41  }
0xa2: {  	v26 =	vmul.f32 $1.442695020e+00, v18;
	v18 =	vadd.f32 $1.000000000e+00, v15;
	v12 =	vpop (erf);
	(erf) = vrcp.f32 v23  }
0xa3: {  	v56 =	vld [tilespmem:s14+$0x60];
	v16 =	vmul.f32 v41, v41;
	v21 =	vadd.f32 v46, v21;
	(erf) = vrcp.f32 v19;
	v19 =	vpop (erf)  }
0xa4: {  	s2 =	simm.s32 $0x1A140;
	v35 =	vsub.f32 v44, v55;
	v36 =	vld.idx.msk [tilespmem:v57+s5+$0x0], $0xffff;
	v23 =	vmul.f32 v12, v43;
	v58 =	vpop (erf);
	(erf) = vrcp.f32 v18  }
0xa5: {  	v30 =	vsub.f32 v42, v27;
	v27 =	vmul.f32 v16, v41;
	v16 =	vld [tilespmem:s2+$0x10];
	(erf) = vrcp.f32 v21  }
0xa6: {  	v12 =	vld [tilespmem:s2+$0xFFFFFFF0];
	v24 =	vadd.f32 v24, v28;
	v28 =	vpop (erf);
	v21 =	vadd.f32 v14, v31;
	v40 =	vmul.f32 v58, v40  }
0xa7: {  	v59 =	vadd.f32 v23, v13;
	v23 =	vld [tilespmem:s2+$0x20];
	v61 =	vadd.f32 $1.000000000e+00, v19;
	v31 =	vmul.f32 $4.000000060e-01, v27;
	v18 =	vpop (erf)  }
0xa8: {  	v14 =	vld [tilespmem:s2+$0x0];
	v27 =	vmul.f32 v28, v48;
	v25 =	vpop (erf);
	(erf) = vrcp.f32 v21;
	v62 =	vadd.f32 v40, v22  }
0xa9: {  	s31 =	simm.s32 $0x1ACC0;
	v13 =	vld [tilespmem:s2+$0xFFFFFFD0];
	v40 =	vmul.f32 $1.442695020e+00, v30;
	v41 =	vsub.f32 v53, v31;
	v31 =	vmul.f32 $1.442695020e+00, v63;
	v29 =	vpop (erf)  }
0xaa: {  	[tilespmem:s31+$0x10] =	vst v45;
	v21 =	vld [tilespmem:s2+$0x30];
	(erf) = vrcp.f32 v37;
	v39 =	vmul.f32 v29, v16;
	v28 =	vpop (erf)  }
0xab: {  	[tilespmem:s31+$0x0] =	vst v54;
	v22 =	vld [tilespmem:s2+$0xFFFFFFC0];
	v29 =	vmul.f32 $1.442695020e+00, v35;
	(erf) = vrcp.f32 v61;
	v30 =	vpop (erf)  }
0xac: {  	s30 =	simm.s32 $0x1AD40;
	s0 =	simm.s32 $0x1AD40;
	s15 =	sshll.u32 s26, $0x6;
	[tilespmem:s31+$0xFFFFFFF0] =	vst v59;
	v35 =	vld.idx.msk [tilespmem:v56+s5+$0x0], $0xffff;
	v42 =	vmul.f32 v39, v39;
	v38 =	vpop (erf);
	(erf) = vrcp.f32 v24  }
0xad: {  	s29 =	sor.u32 s6, s15;
	s15 =	simm.s32 $0x18A80;
	s14 =	simm.s32 $0x10;
	v34 =	vadd.f32 $1.000000000e+00, v18;
	[tilespmem:s31+$0xFFFFFFD0] =	vst v62;
	v37 =	vmul.f32 $-2.000000000e+00, v39;
	v24 =	vld [tilespmem:s2+$0xFFFFFFE0];
	v32 =	vmul.f32 v30, v14;
	v30 =	vpop (erf)  }
.LBB2_4:
0xae: {  	v43 =	vld [tilespmem:s15+$0xFFFFFFF0];
	s14 =	sadd.s32 $0x8, s14;
	v39 =	vmul.f32 v42, v39;
	v42 =	vpop (erf);
	s30 =	sadd.s32 $0x80, s30;
	(erf) = vpow2.f32 v40  }
0xaf: {  	v20 =	vmul.f32 v28, v20;
	v40 =	vld [tilespmem:s15+$0xFFFFFFD0];
	p0 =	slt.u32 s14, $0xC0;
	v44 =	vmul.f32 v32, v32  }
0xb0: {  	v27 =	vadd.f32 v27, v1;
	v17 =	vmul.f32 v25, v17;
	v1 =	vmovc v4;
	v4 =	vmovc v23;
	v28 =	vld [tilespmem:s15+$0x50];
	v39 =	vmul.f32 $4.000000060e-01, v39  }
0xb1: {  	v45 =	vmul.f32 v30, v15;
	v35 =	vadd.f32 v35, v36;
	v23 =	vld [tilespmem:s15+$0x70];
	v25 =	vpop (erf);
	(erf) = vpow2.f32 v33  }
0xb2: {  	v33 =	vmul.f32 v44, v32;
	v30 =	vld [tilespmem:s15+$0xFFFFFFB0];
	v36 =	vsub.f32 v37, v39;
	v37 =	vmul.f32 $1.442695020e+00, v41  }
0xb3: {  	v38 =	vmul.f32 v38, v12;
	v3 =	vadd.f32 v45, v3;
	v39 =	vld [tilespmem:s15+$0xFFFFFF80];
	v41 =	vpop (erf);
	(erf) = vrcp.f32 v34  }
0xb4: {  	v44 =	vadd.f32 v20, v2;
	v42 =	vmul.f32 v42, v24;
	v34 =	vld [tilespmem:s15+$0xFFFFFF90];
	v15 =	vpop (erf);
	(erf) = vpow2.f32 v37;
	[tilespmem:s31+$0x20] =	vst v27  }
0xb5: {  	v27 =	vmul.f32 v41, v22;
	v37 =	vld [tilespmem:s15+$0x10];
	v20 =	vpop (erf);
	(erf) = vpow2.f32 v26;
	[tilespmem:s31+$0xFFFFFFE0] =	vst v3;
	v3 =	vadd.f32 v17, v0  }
0xb6: {  	v17 =	vmul.f32 v42, v42;
	v15 =	vmul.f32 v15, v19;
	v0 =	vmovc v5;
	v5 =	vmov v21;
	v26 =	vld [tilespmem:s15+$0x0];
	[tilespmem:s31+$0xFFFFFFC0] =	vst v44  }
0xb7: {  	v2 =	vmov v9;
	v19 =	vmul.f32 v20, v13;
	v20 =	vmul.f32 v25, v5;
	v21 =	vld.idx.msk [tilespmem:v43+s5+$0x0], $0xffff;
	v25 =	vpop (erf);
	[tilespmem:s31+$0x30] =	vst v3;
	s31 =	smov.u32 s0;
	s0 =	smov.u32 s30  }
0xb8: {  	v9 =	vmovc v22;
	v17 =	vmul.f32 v17, v42;
	v15 =	vadd.f32 v15, v6;
	v6 =	vmovc v16;
	v41 =	vld [tilespmem:s15+$0x40];
	(erf) = vrcp.f32 v35  }
0xb9: {  	v22 =	vmul.f32 $1.442695020e+00, v36;
	v35 =	vadd.f32 $1.000000000e+00, v25;
	v16 =	vld [tilespmem:s15+$0xFFFFFFC0];
	(erf) = vpow2.f32 v29;
	v3 =	vmovc v8;
	v8 =	vmovc v24  }
0xba: {  	v36 =	vmul.f32 v38, v38;
	v29 =	vmul.f32 $-2.000000000e+00, v19;
	v24 =	vld [tilespmem:s15+$0x30];
	[tilespmem:s31+$0x10] =	vst v15;
	v43 =	vpop (erf)  }
0xbb: {  	v32 =	vmul.f32 $-2.000000000e+00, v32;
	v44 =	vmul.f32 $-2.000000000e+00, v20;
	v39 =	vld.idx.msk [tilespmem:v39+s5+$0x0], $0xffff;
	v49 =	vadd.f32 $1.000000000e+00, v43  }
0xbc: {  	v36 =	vmul.f32 v36, v38;
	v45 =	vld [tilespmem:s15+$0x20];
	(erf) = vpow2.f32 v31;
	v31 =	vpop (erf)  }
0xbd: {  	v33 =	vmul.f32 $4.000000060e-01, v33;
	v46 =	vld [tilespmem:s15+$0xFFFFFFA0];
	(erf) = vrcp.f32 v49;
	v47 =	vpop (erf)  }
0xbe: {  	v48 =	vmul.f32 v20, v20;
	v49 =	vmul.f32 $-2.000000000e+00, v38;
	v28 =	vld.idx.msk [tilespmem:v28+s5+$0x0], $0xffff;
	v15 =	vpop (erf)  }
0xbf: {  	v32 =	vsub.f32 v32, v33;
	v36 =	vmul.f32 $4.000000060e-01, v36;
	v18 =	vmul.f32 v31, v18;
	v40 =	vld.idx.msk [tilespmem:v40+s5+$0x0], $0xffff  }
0xc0: {  	v33 =	vmul.f32 $4.000000060e-01, v17;
	v31 =	vld.idx.msk [tilespmem:v41+s5+$0x0], $0xffff;
	v41 =	vmul.f32 $-2.000000000e+00, v27  }
0xc1: {  	v42 =	vmul.f32 $-2.000000000e+00, v42;
	v32 =	vmul.f32 $1.442695020e+00, v32;
	v36 =	vsub.f32 v49, v36;
	v16 =	vld.idx.msk [tilespmem:v16+s5+$0x0], $0xffff;
	v38 =	vpop (erf)  }
0xc2: {  	v49 =	vmul.f32 v19, v19;
	v24 =	vld.idx.msk [tilespmem:v24+s5+$0x0], $0xffff;
	(erf) = vpow2.f32 v22;
	v22 =	vadd.f32 $1.000000000e+00, v47;
	v17 =	vpop (erf)  }
0xc3: {  	v33 =	vsub.f32 v42, v33;
	v38 =	vmul.f32 v38, v4;
	v30 =	vld.idx.msk [tilespmem:v30+s5+$0x0], $0xffff;
	(erf) = vrcp.f32 v35  }
0xc4: {  	s2 =	sadd.s32 $0x80, s2;
	v19 =	vmul.f32 v49, v19;
	v42 =	vadd.f32 $1.000000000e+00, v17;
	v35 =	vld.idx.msk [tilespmem:v45+s5+$0x0], $0xffff;
	(erf) = vrcp.f32 v22  }
0xc5: {  	v28 =	vadd.f32 v28, v40;
	v40 =	vmul.f32 v48, v20;
	v22 =	vld.idx.msk [tilespmem:v46+s5+$0x0], $0xffff;
	(erf) = vpow2.f32 v32;
	v20 =	vpop (erf)  }
0xc6: {  	v32 =	vld.idx.msk [tilespmem:v37+s5+$0x0], $0xffff;
	v37 =	vmul.f32 $4.000000060e-01, v19;
	v19 =	vadd.f32 $1.000000000e+00, v20;
	v45 =	vpop (erf);
	(erf) = vrcp.f32 v42  }
0xc7: {  	v18 =	vadd.f32 v18, v7;
	v7 =	vmovc v14;
	v34 =	vld.idx.msk [tilespmem:v34+s5+$0x0], $0xffff;
	(erf) = vrcp.f32 v28;
	v28 =	vmul.f32 v38, v38  }
0xc8: {  	v16 =	vadd.f32 v31, v16;
	v31 =	vmul.f32 $-2.000000000e+00, v38;
	v14 =	vld.idx.msk [tilespmem:v26+s5+$0x0], $0xffff;
	(erf) = vrcp.f32 v19  }
0xc9: {  	v42 =	vadd.f32 v24, v30;
	v30 =	vmul.f32 $4.000000060e-01, v40;
	v24 =	vld.idx.msk [tilespmem:v23+s5+$0x0], $0xffff;
	v23 =	vmul.f32 v27, v27;
	[tilespmem:s31+$0x0] =	vst v18  }
0xca: {  	v26 =	vmul.f32 $1.442695020e+00, v33;
	v18 =	vadd.f32 $1.000000000e+00, v15;
	v40 =	vld [tilespmem:s2+$0xFFFFFFF0];
	(erf) = vrcp.f32 v16  }
0xcb: {  	v33 =	vmul.f32 v45, v43;
	v22 =	vadd.f32 v35, v22;
	v35 =	vld [tilespmem:s15+$0x60];
	(erf) = vrcp.f32 v42;
	v19 =	vpop (erf)  }
0xcc: {  	v37 =	vsub.f32 v29, v37;
	v23 =	vmul.f32 v23, v27;
	v27 =	vmul.f32 v28, v38;
	v43 =	vld [tilespmem:s15+$0xFFFFFFE0];
	v28 =	vpop (erf)  }
0xcd: {  	v33 =	vadd.f32 v33, v10;
	v32 =	vadd.f32 v32, v34;
	v16 =	vld [tilespmem:s2+$0x10];
	(erf) = vrcp.f32 v18;
	v29 =	vpop (erf)  }
0xce: {  	v38 =	vadd.f32 v14, v39;
	(erf) = vrcp.f32 v22;
	v22 =	vmul.f32 $4.000000060e-01, v23;
	v18 =	vpop (erf)  }
0xcf: {  	v21 =	vadd.f32 v24, v21;
	v24 =	vmul.f32 $4.000000060e-01, v27;
	v27 =	vmul.f32 v28, v25;
	v23 =	vld [tilespmem:s2+$0x20];
	[tilespmem:s31+$0xFFFFFFF0] =	vst v33;
	v25 =	vpop (erf)  }
0xd0: {  	v33 =	vmul.f32 $1.442695020e+00, v36;
	v34 =	vadd.f32 $1.000000000e+00, v18;
	v36 =	vsub.f32 v44, v30;
	v45 =	vld [tilespmem:s2+$0xFFFFFFD0];
	v10 =	vpop (erf)  }
0xd1: {  	v48 =	vadd.f32 v27, v11;
	v27 =	vmul.f32 v29, v47;
	v14 =	vld [tilespmem:s2+$0x0];
	(erf) = vrcp.f32 v21;
	v28 =	vpop (erf)  }
.Ltmp5:
0xd2: {  	v44 =	vadd.f32 $1.000000000e+00, v19;
	v29 =	vmul.f32 $1.442695020e+00, v36;
	v39 =	vmul.f32 v10, v16;
	v21 =	vld [tilespmem:s2+$0x30];
	v10 =	vmovc v12;
	v12 =	vmovc v40;
	(pc) =	sbr.rel @p0 .LBB2_4-.Ltmp5, $4  }
0xd3: {  	v46 =	vsub.f32 v41, v22;
	v40 =	vmul.f32 $1.442695020e+00, v37;
	v35 =	vld.idx.msk [tilespmem:v35+s5+$0x0], $0xffff;
	(erf) = vrcp.f32 v38;
	v30 =	vpop (erf);
	[tilespmem:s31+$0xFFFFFFD0] =	vst v48  }
0xd4: {  	v11 =	vmov v13;
	v42 =	vmul.f32 v39, v39;
	v36 =	vld.idx.msk [tilespmem:v43+s5+$0x0], $0xffff;
	v38 =	vpop (erf);
	(erf) = vrcp.f32 v44  }
0xd5: {  	v41 =	vsub.f32 v31, v24;
	v37 =	vmul.f32 $-2.000000000e+00, v39;
	v22 =	vld [tilespmem:s2+$0xFFFFFFC0];
	(erf) = vrcp.f32 v32;
	v13 =	vmovc v45  }
0xd6: {  	s15 =	sadd.s32 $0x100, s15;
	v31 =	vmul.f32 $1.442695020e+00, v46;
	v24 =	vld [tilespmem:s2+$0xFFFFFFE0];
	v32 =	vmul.f32 v30, v14;
	v30 =	vpop (erf)  }
0xd7: {  	v39 =	vmul.f32 v42, v39;
	(erf) = vpow2.f32 v40  }
0xd8: {  	v41 =	vmul.f32 $1.442695020e+00, v41;
	v38 =	vmul.f32 v38, v12  }
0xd9: {  	v57 =	vmul.f32 v32, v32;
	(erf) = vpow2.f32 v33  }
0xda: {  	v58 =	vpop (erf);
	v51 =	vmul.f32 $-2.000000000e+00, v32;
	v39 =	vmul.f32 $4.000000060e-01, v39  }
0xdb: {  	v50 =	vmul.f32 v38, v38;
	v40 =	vmul.f32 v57, v32;
	v59 =	vpop (erf)  }
0xdc: {  	v33 =	vmul.f32 v58, v24;
	v43 =	vpop (erf);
	(erf) = vrcp.f32 v34  }
0xdd: {  	v62 =	vmul.f32 v59, v21;
	v34 =	vpop (erf);
	(erf) = vpow2.f32 v41  }
0xde: {  	v35 =	vadd.f32 v35, v36;
	v42 =	vmul.f32 v50, v38;
	v38 =	vmul.f32 $-2.000000000e+00, v38  }
0xdf: {  	v40 =	vmul.f32 $4.000000060e-01, v40;
	v60 =	vpop (erf);
	(erf) = vpow2.f32 v26  }
0xe0: {  	v37 =	vsub.f32 v37, v39;
	v41 =	vmul.f32 v43, v22;
	(erf) = vrcp.f32 v35  }
0xe1: {  	v61 =	vmul.f32 v33, v33;
	(erf) = vpow2.f32 v29  }
0xe2: {  	v37 =	vmul.f32 $1.442695020e+00, v37;
	v46 =	vmul.f32 v62, v62;
	v35 =	vpop (erf)  }
0xe3: {  	v42 =	vmul.f32 $4.000000060e-01, v42;
	v32 =	vsub.f32 v51, v40;
	v36 =	vmul.f32 v60, v13;
	v43 =	vpop (erf)  }
0xe4: {  	v26 =	vmul.f32 v61, v33;
	v40 =	vmul.f32 $-2.000000000e+00, v41;
	v44 =	vadd.f32 $1.000000000e+00, v43  }
0xe5: {  	v33 =	vmul.f32 $-2.000000000e+00, v33;
	(erf) = vpow2.f32 v31;
	v45 =	vpop (erf)  }
0xe6: {  	v39 =	vmul.f32 v46, v62;
	v52 =	vadd.f32 $1.000000000e+00, v35;
	(erf) = vrcp.f32 v44;
	v47 =	vpop (erf)  }
0xe7: {  	v58 =	vmul.f32 v41, v41;
	(erf) = vpow2.f32 v37;
	v48 =	vadd.f32 $1.000000000e+00, v47  }
0xe8: {  	v32 =	vmul.f32 $1.442695020e+00, v32;
	(erf) = vrcp.f32 v52;
	v37 =	vpop (erf)  }
0xe9: {  	v53 =	vmul.f32 v36, v36;
	v49 =	vpop (erf);
	(erf) = vrcp.f32 v48  }
0xea: {  	v63 =	vmul.f32 $-2.000000000e+00, v36;
	v50 =	vpop (erf);
	(erf) = vpow2.f32 v32  }
0xeb: {  	v36 =	vmul.f32 v53, v36;
	v55 =	vmul.f32 v49, v23  }
0xec: {  	v31 =	vmul.f32 $-2.000000000e+00, v62;
	v26 =	vmul.f32 $4.000000060e-01, v26  }
0xed: {  	v38 =	vsub.f32 v38, v42;
	v36 =	vmul.f32 $4.000000060e-01, v36;
	v57 =	vmul.f32 v55, v55  }
0xee: {  	v41 =	vmul.f32 v58, v41;
	v62 =	vmul.f32 $4.000000060e-01, v39;
	v54 =	vadd.f32 $1.000000000e+00, v50;
	v44 =	vpop (erf)  }
0xef: {  	v29 =	vsub.f32 v63, v36;
	v56 =	vadd.f32 $1.000000000e+00, v44;
	v51 =	vpop (erf);
	v48 =	vmul.f32 v57, v55  }
0xf0: {  	v59 =	vadd.f32 $1.000000000e+00, v37;
	v32 =	vmul.f32 $-2.000000000e+00, v55;
	(erf) = vrcp.f32 v54;
	v49 =	vpop (erf)  }
0xf1: {  	(erf) = vrcp.f32 v56;
	v60 =	vadd.f32 $1.000000000e+00, v49;
	v42 =	vpop (erf);
	v61 =	vmul.f32 $4.000000060e-01, v48  }
0xf2: {  	v26 =	vsub.f32 v33, v26;
	v29 =	vmul.f32 $1.442695020e+00, v29;
	(erf) = vrcp.f32 v59;
	v33 =	vpop (erf)  }
0xf3: {  	v38 =	vmul.f32 $1.442695020e+00, v38;
	(erf) = vrcp.f32 v60;
	v32 =	vsub.f32 v32, v61;
	v39 =	vpop (erf)  }
0xf4: {  	v41 =	vmul.f32 $4.000000060e-01, v41;
	(erf) = vpow2.f32 v29;
	v63 =	vadd.f32 $1.000000000e+00, v39  }
0xf5: {  	v31 =	vsub.f32 v31, v62;
	(erf) = vpow2.f32 v38;
	v32 =	vmul.f32 $1.442695020e+00, v32  }
0xf6: {  	v26 =	vmul.f32 $1.442695020e+00, v26;
	v40 =	vsub.f32 v40, v41;
	(erf) = vrcp.f32 v63  }
0xf7: {  	v41 =	vmul.f32 $1.442695020e+00, v31;
	(erf) = vpow2.f32 v32  }
0xf8: {  	v46 =	vmul.f32 $1.442695020e+00, v40;
	(erf) = vpow2.f32 v26  }
0xf9: {  	v48 =	vpop (erf);
	(erf) = vpow2.f32 v41  }
0xfa: {  	v52 =	vpop (erf);
	(erf) = vpow2.f32 v46  }
0xfb: {  	v53 =	vpop (erf)  }
0xfc: {  	v54 =	vpop (erf)  }
0xfd: {  	v15 =	vmul.f32 v30, v15;
	v55 =	vpop (erf)  }
0xfe: {  	v20 =	vmul.f32 v28, v20;
	v38 =	vpop (erf)  }
0xff: {  	v1 =	vadd.f32 v27, v1;
	v17 =	vmul.f32 v25, v17;
	v3 =	vadd.f32 v15, v3;
	v56 =	vpop (erf)  }
0x100: {  	v2 =	vadd.f32 v20, v2;
	v20 =	vmul.f32 v51, v43;
	v57 =	vadd.f32 $1.000000000e+00, v38;
	v28 =	vpop (erf)  }
0x101: {  	v0 =	vadd.f32 v17, v0;
	v35 =	vmul.f32 v42, v35;
	v58 =	vadd.f32 $1.000000000e+00, v55;
	v25 =	vpop (erf)  }
0x102: {  	[tilespmem:s31+$0x20] =	vst v1;
	v40 =	vadd.f32 v20, v10;
	(erf) = vrcp.f32 v57;
	v59 =	vadd.f32 $1.000000000e+00, v28;
	v27 =	vpop (erf)  }
0x103: {  	[tilespmem:s31+$0xFFFFFFE0] =	vst v3;
	v61 =	vmul.f32 v34, v19;
	(erf) = vrcp.f32 v58;
	v60 =	vadd.f32 $1.000000000e+00, v27;
	v17 =	vpop (erf)  }
0x104: {  	[tilespmem:s31+$0xFFFFFFC0] =	vst v2;
	v42 =	vadd.f32 v35, v11;
	(erf) = vrcp.f32 v59;
	v62 =	vadd.f32 $1.000000000e+00, v17  }
0x105: {  	[tilespmem:s31+$0x30] =	vst v0;
	v63 =	vmul.f32 v45, v18;
	v18 =	vadd.f32 $1.000000000e+00, v25;
	(erf) = vrcp.f32 v60  }
0x106: {  	[tilespmem:s0+$0xFFFFFFF0] =	vst v40;
	v1 =	vadd.f32 v61, v6;
	v45 =	vmul.f32 v48, v50;
	(erf) = vrcp.f32 v62  }
0x107: {  	[tilespmem:s0+$0xFFFFFFD0] =	vst v42;
	v44 =	vmul.f32 v52, v44;
	v34 =	vadd.f32 v63, v7;
	(erf) = vrcp.f32 v18  }
0x108: {  	[tilespmem:s0+$0x10] =	vst v1;
	v43 =	vmul.f32 v53, v37;
	v0 =	vadd.f32 v45, v5  }
0x109: {  	v41 =	vmul.f32 v33, v47;
	v1 =	vadd.f32 v44, v9;
	[tilespmem:s0+$0x0] =	vst v34  }
0x10a: {  	v3 =	vadd.f32 v43, v8;
	[tilespmem:s0+$0x30] =	vst v0;
	v47 =	vmul.f32 v54, v49  }
0x10b: {  	v2 =	vadd.f32 v41, v4;
	[tilespmem:s0+$0xFFFFFFC0] =	vst v1;
	v49 =	vmul.f32 v56, v39;
	v46 =	vpop (erf)  }
0x10c: {  	[tilespmem:s0+$0xFFFFFFE0] =	vst v3;
	v51 =	vadd.f32 v47, v16;
	v48 =	vpop (erf);
	v52 =	vmul.f32 v46, v38  }
0x10d: {  	s2 =	sadd.s32 $0x80, s30;
	[tilespmem:s0+$0x20] =	vst v2;
	v54 =	vadd.f32 v49, v14;
	v55 =	vmul.f32 v48, v55;
	v50 =	vpop (erf)  }
0x10e: {  	[tilespmem:s2+$0x10] =	vst v51;
	v57 =	vadd.f32 v52, v12;
	v58 =	vmul.f32 v50, v28;
	v53 =	vpop (erf)  }
0x10f: {  	[tilespmem:s2+$0x0] =	vst v54;
	v60 =	vadd.f32 v55, v13;
	v56 =	vpop (erf);
	v63 =	vmul.f32 v53, v27  }
0x110: {  	[tilespmem:s2+$0xFFFFFFF0] =	vst v57;
	v2 =	vadd.f32 v58, v23;
	v59 =	vpop (erf);
	v62 =	vmul.f32 v56, v17  }
0x111: {  	s0 =	sadd.s32 $0x2, s28;
	[tilespmem:s2+$0xFFFFFFD0] =	vst v60;
	v61 =	vmul.f32 v59, v25;
	v0 =	vadd.f32 v63, v21  }
0x112: {  	p0 =	sge.u32 s0, s8;
	[tilespmem:s2+$0x20] =	vst v2;
	v1 =	vadd.f32 v62, v22  }
0x113: {  	s14 =	smul.u32 $0x190, s29;
	s0 =	sshll.u32 @!p0 s0, $0x5;
	v3 =	vadd.f32 v61, v24;
	[tilespmem:s2+$0x30] =	vst v0  }
0x114: {  	s0 =	sor.u32 @!p0 s6, s0;
	[tilespmem:s2+$0xFFFFFFC0] =	vst v1  }
0x115: {  	s31 =	sadd.s32 s4, s14;
	s15 =	simm.s32 @!p0 $0x18700;
	s14 =	smul.u32 @!p0 $0x320, s0;
	[tilespmem:s2+$0xFFFFFFE0] =	vst v3  }
0x116: {  	[hbm4b:s31+s5] =	stream.linear.scatter [tilespmem:s20], [sflag:$0x3], $0xC80, $0x38;
	[tilespmem:$0x1EB00] =	vst v63  }
0x117: {  	s0 =	smul.u32 @!p0 $0x190, s0;
	s2 =	sadd.s32 @!p0 s1, s14;
	s14 =	simm.s32 @!p0 $0x0  }
0x118: {  	[tilespmem:s15], [sflag:$0x1] =	stream.linear.gather @!p0 [hbm4b:s2+s14], $0x1900, $0x38;
	[tilespmem:$0x1EB00] =	vst v63  }
0x119: {  	s0 =	sadd.s32 @!p0 s3, s0;
	s2 =	simm.s32 @!p0 $0x1A000  }
0x11a: {  	[tilespmem:s2], [sflag:$0x1] =	stream.linear.gather @!p0 [hbm4b:s0+s14], $0xC80, $0x38;
	[tilespmem:$0x1EB00] =	vst v63  }
.LBB2_6:
0x11b: {  	s0 =	sor.u32 $0x1, s28  }
0x11c: {  	p0 =	sge.u32 s0, s8  }
.Ltmp6:
0x11d: {  	_ = 	snop;
	(pc) =	sbr.rel @p0 .LBB2_10-.Ltmp6, $1  }
0x11e: {  	_ =	sdelay $0x3  }
0x11f: {  	_ =	swait.ge [sflag:s21], $0x1900  }
0x120: {  	[sflag:s21] =	ssyncset.done $0x0  }
0x121: {  	[sflag:s21] =	ssyncadd.s32 $0xFFFFE700  }
0x122: {  	_ =	swait.ge [sflag:s21], $0xC80  }
0x123: {  	p0 =	seq.s32 s26, $0x0;
	[sflag:s21] =	ssyncset.done $0x0  }
0x124: {  	s2 =	simm.s32 @!p0 $0x4;
	[sflag:s21] =	ssyncadd.s32 $0xFFFFF380  }
0x125: {  	_ =	swait.ge @!p0 [sflag:s2], $0xC80  }
0x126: {  	[sflag:s2] =	ssyncset.done @!p0 $0x0  }
0x127: {  	s15 =	simm.s32 $0x1B980;
	[sflag:s2] =	ssyncadd.s32 @!p0 $0xFFFFF380  }
0x128: {  	v0 =	vld [tilespmem:s15+$0xFFFFFFF0]  }
0x129: {  	v1 =	vld [tilespmem:s15+$0xFFFFFFD0]  }
0x12a: {  	v2 =	vld [tilespmem:s15+$0x50]  }
0x12b: {  	v3 =	vld [tilespmem:s15+$0x70]  }
0x12c: {  	v4 =	vld [tilespmem:s15+$0xFFFFFFB0]  }
0x12d: {  	v5 =	vld [tilespmem:s15+$0xFFFFFF80]  }
0x12e: {  	v6 =	vld [tilespmem:s15+$0xFFFFFF90]  }
0x12f: {  	v7 =	vld [tilespmem:s15+$0x10]  }
0x130: {  	v8 =	vld [tilespmem:s15+$0x0]  }
0x131: {  	v10 =	vld [tilespmem:s15+$0xFFFFFFC0]  }
0x132: {  	v11 =	vld [tilespmem:s15+$0x30]  }
0x133: {  	v12 =	vld [tilespmem:s15+$0x20]  }
0x134: {  	v13 =	vld [tilespmem:s15+$0xFFFFFFA0]  }
0x135: {  	s14 =	simm.s32 $0x1D240;
	v20 =	vld [tilespmem:s15+$0xFFFFFFE0]  }
0x136: {  	v14 =	vld [tilespmem:s14+$0x10]  }
0x137: {  	v22 =	vld [tilespmem:s14+$0xFFFFFFD0]  }
0x138: {  	v9 =	vld.idx.msk [tilespmem:v0+s5+$0x0], $0xffff  }
0x139: {  	v0 =	vld [tilespmem:s15+$0x40]  }
0x13a: {  	v5 =	vld.idx.msk [tilespmem:v5+s5+$0x0], $0xffff  }
0x13b: {  	v2 =	vld.idx.msk [tilespmem:v2+s5+$0x0], $0xffff  }
0x13c: {  	v15 =	vld.idx.msk [tilespmem:v1+s5+$0x0], $0xffff  }
0x13d: {  	v10 =	vld.idx.msk [tilespmem:v10+s5+$0x0], $0xffff  }
0x13e: {  	v11 =	vld.idx.msk [tilespmem:v11+s5+$0x0], $0xffff  }
0x13f: {  	v4 =	vld.idx.msk [tilespmem:v4+s5+$0x0], $0xffff  }
0x140: {  	v17 =	vld.idx.msk [tilespmem:v12+s5+$0x0], $0xffff  }
0x141: {  	v18 =	vld.idx.msk [tilespmem:v13+s5+$0x0], $0xffff  }
0x142: {  	v7 =	vld.idx.msk [tilespmem:v7+s5+$0x0], $0xffff  }
0x143: {  	v6 =	vld.idx.msk [tilespmem:v6+s5+$0x0], $0xffff  }
0x144: {  	v19 =	vld.idx.msk [tilespmem:v3+s5+$0x0], $0xffff  }
0x145: {  	v3 =	vld [tilespmem:s15+$0x60]  }
0x146: {  	v8 =	vld.idx.msk [tilespmem:v8+s5+$0x0], $0xffff  }
0x147: {  	v13 =	vld [tilespmem:s14+$0xFFFFFFF0];
	v2 =	vadd.f32 v2, v15  }
0x148: {  	v16 =	vld.idx.msk [tilespmem:v0+s5+$0x0], $0xffff  }
0x149: {  	v1 =	vld [tilespmem:s14+$0x20];
	(erf) = vrcp.f32 v2  }
0x14a: {  	v12 =	vld [tilespmem:s14+$0x0]  }
0x14b: {  	v2 =	vld [tilespmem:s14+$0xFFFFFFC0]  }
0x14c: {  	v0 =	vld [tilespmem:s14+$0x30]  }
0x14d: {  	v15 =	vld.idx.msk [tilespmem:v3+s5+$0x0], $0xffff;
	v3 =	vadd.f32 v16, v10  }
0x14e: {  	v10 =	vld.idx.msk [tilespmem:v20+s5+$0x0], $0xffff  }
0x14f: {  	v4 =	vadd.f32 v11, v4;
	(erf) = vrcp.f32 v3;
	v3 =	vld [tilespmem:s14+$0xFFFFFFE0];
	s14 =	simm.s32 $0x1BA80  }
0x150: {  	v16 =	vld [tilespmem:s14+$0xFFFFFFF0]  }
0x151: {  	v11 =	vadd.f32 v17, v18;
	(erf) = vrcp.f32 v4;
	v4 =	vadd.f32 v19, v9;
	v9 =	vld [tilespmem:s14+$0xFFFFFFD0]  }
0x152: {  	v5 =	vadd.f32 v8, v5;
	v6 =	vadd.f32 v7, v6;
	v8 =	vld [tilespmem:s14+$0x50];
	v7 =	vpop (erf)  }
0x153: {  	v17 =	vld [tilespmem:s14+$0x10];
	(erf) = vrcp.f32 v11;
	v7 =	vmul.f32 v7, v14  }
0x154: {  	v11 =	vld [tilespmem:s14+$0xFFFFFF80];
	(erf) = vrcp.f32 v4  }
0x155: {  	v20 =	vld [tilespmem:s14+$0x0];
	v19 =	vmul.f32 v7, v7  }
0x156: {  	v23 =	vld [tilespmem:s14+$0x40]  }
0x157: {  	v26 =	vld [tilespmem:s14+$0xFFFFFFC0];
	v19 =	vmul.f32 v19, v7  }
0x158: {  	v28 =	vld [tilespmem:s14+$0x30];
	(erf) = vrcp.f32 v5  }
0x159: {  	v4 =	vld [tilespmem:s14+$0x70];
	v7 =	vmul.f32 $-2.000000000e+00, v7;
	v19 =	vmul.f32 $4.000000060e-01, v19;
	v18 =	vpop (erf)  }
0x15a: {  	v5 =	vld [tilespmem:s14+$0xFFFFFFB0];
	v18 =	vmul.f32 v18, v12  }
0x15b: {  	(erf) = vrcp.f32 v6;
	v6 =	vld [tilespmem:s14+$0xFFFFFF90];
	v21 =	vpop (erf);
	v7 =	vsub.f32 v7, v19  }
0x15c: {  	v29 =	vld.idx.msk [tilespmem:v11+s5+$0x0], $0xffff;
	v24 =	vpop (erf);
	v11 =	vmul.f32 v21, v13;
	v25 =	vmul.f32 v18, v18  }
0x15d: {  	v16 =	vld.idx.msk [tilespmem:v16+s5+$0x0], $0xffff;
	v27 =	vpop (erf);
	v24 =	vmul.f32 v24, v3;
	v7 =	vmul.f32 $1.442695020e+00, v7  }
0x15e: {  	v8 =	vld.idx.msk [tilespmem:v8+s5+$0x0], $0xffff;
	v27 =	vmul.f32 v27, v0;
	v32 =	vmul.f32 v11, v11  }
0x15f: {  	v10 =	vadd.f32 v15, v10;
	v9 =	vld.idx.msk [tilespmem:v9+s5+$0x0], $0xffff;
	v15 =	vmul.f32 v25, v18;
	v30 =	vmul.f32 v24, v24  }
0x160: {  	v23 =	vld.idx.msk [tilespmem:v23+s5+$0x0], $0xffff;
	v18 =	vmul.f32 $-2.000000000e+00, v18;
	v33 =	vmul.f32 $-2.000000000e+00, v27  }
0x161: {  	v26 =	vld.idx.msk [tilespmem:v26+s5+$0x0], $0xffff;
	v32 =	vmul.f32 v32, v11;
	v15 =	vmul.f32 $4.000000060e-01, v15  }
0x162: {  	v11 =	vmul.f32 $-2.000000000e+00, v11;
	v25 =	vpop (erf);
	(erf) = vrcp.f32 v10;
	v10 =	vld [tilespmem:s14+$0xFFFFFFA0]  }
0x163: {  	v34 =	vmul.f32 v27, v27;
	v21 =	vmul.f32 v25, v2;
	v25 =	vld [tilespmem:s14+$0x20];
	v15 =	vsub.f32 v18, v15  }
0x164: {  	v28 =	vld.idx.msk [tilespmem:v28+s5+$0x0], $0xffff;
	v30 =	vmul.f32 v30, v24;
	v19 =	vpop (erf);
	(erf) = vpow2.f32 v7  }
0x165: {  	v5 =	vld.idx.msk [tilespmem:v5+s5+$0x0], $0xffff;
	v19 =	vmul.f32 v19, v22;
	v15 =	vmul.f32 $1.442695020e+00, v15  }
0x166: {  	v7 =	vadd.f32 v8, v9;
	v8 =	vld.idx.msk [tilespmem:v17+s5+$0x0], $0xffff;
	v17 =	vmul.f32 v34, v27;
	v18 =	vmul.f32 $4.000000060e-01, v32  }
0x167: {  	v36 =	vmul.f32 v19, v19;
	(erf) = vpow2.f32 v15;
	v15 =	vld.idx.msk [tilespmem:v6+s5+$0x0], $0xffff  }
0x168: {  	v30 =	vmul.f32 $4.000000060e-01, v30;
	(erf) = vrcp.f32 v7;
	v7 =	vld.idx.msk [tilespmem:v20+s5+$0x0], $0xffff  }
0x169: {  	v31 =	vmul.f32 $-2.000000000e+00, v19;
	v6 =	vmul.f32 v36, v19;
	v19 =	vadd.f32 v23, v26;
	v20 =	vld.idx.msk [tilespmem:v4+s5+$0x0], $0xffff  }
0x16a: {  	v52 =	vmul.f32 $-2.000000000e+00, v21;
	v17 =	vmul.f32 $4.000000060e-01, v17;
	v35 =	vld.idx.msk [tilespmem:v10+s5+$0x0], $0xffff  }
0x16b: {  	v18 =	vsub.f32 v11, v18;
	v26 =	vmul.f32 v21, v21;
	(erf) = vrcp.f32 v19;
	v25 =	vld.idx.msk [tilespmem:v25+s5+$0x0], $0xffff;
	v10 =	vpop (erf)  }
0x16c: {  	v5 =	vadd.f32 v28, v5;
	v19 =	vld [tilespmem:s14+$0xFFFFFFE0];
	v9 =	vmul.f32 v10, v1;
	v10 =	vmul.f32 $-2.000000000e+00, v24  }
0x16d: {  	s15 =	simm.s32 $0x1D2C0;
	v18 =	vmul.f32 $1.442695020e+00, v18;
	v21 =	vmul.f32 v26, v21;
	v24 =	vld [tilespmem:s14+$0x60]  }
0x16e: {  	v11 =	vld [tilespmem:s15+$0xFFFFFFD0];
	v23 =	vmul.f32 $4.000000060e-01, v6;
	(erf) = vrcp.f32 v5;
	v6 =	vsub.f32 v10, v30  }
0x16f: {  	v17 =	vsub.f32 v33, v17;
	v21 =	vmul.f32 $4.000000060e-01, v21;
	v4 =	vmul.f32 v9, v9;
	v10 =	vld [tilespmem:s15+$0xFFFFFFF0]  }
0x170: {  	v27 =	vmul.f32 $-2.000000000e+00, v9;
	v28 =	vmul.f32 $1.442695020e+00, v6;
	v25 =	vadd.f32 v25, v35;
	v6 =	vld [tilespmem:s15+$0x10]  }
0x171: {  	v5 =	vmul.f32 v4, v9;
	v9 =	vadd.f32 v20, v16;
	v16 =	vadd.f32 v7, v29;
	v7 =	vld [tilespmem:s15+$0x0]  }
0x172: {  	v17 =	vmul.f32 $1.442695020e+00, v17;
	v26 =	vpop (erf);
	v21 =	vsub.f32 v52, v21;
	v4 =	vld [tilespmem:s15+$0x20];
	(erf) = vrcp.f32 v25  }
0x173: {  	v20 =	vpop (erf);
	v25 =	vmul.f32 $4.000000060e-01, v5;
	v5 =	vld [tilespmem:s15+$0x30];
	(erf) = vrcp.f32 v9;
	v9 =	vadd.f32 $1.000000000e+00, v26  }
0x174: {  	v8 =	vadd.f32 v8, v15;
	v21 =	vmul.f32 $1.442695020e+00, v21;
	v29 =	vpop (erf);
	v19 =	vld.idx.msk [tilespmem:v19+s5+$0x0], $0xffff;
	(erf) = vrcp.f32 v16  }
0x175: {  	v24 =	vld.idx.msk [tilespmem:v24+s5+$0x0], $0xffff;
	v16 =	vsub.f32 v31, v23;
	v23 =	vpop (erf);
	v15 =	vmul.f32 v29, v6;
	(erf) = vrcp.f32 v9  }
0x176: {  	v25 =	vsub.f32 v27, v25;
	v9 =	vld [tilespmem:s15+$0xFFFFFFC0];
	v23 =	vmul.f32 v23, v7;
	(erf) = vrcp.f32 v8  }
0x177: {  	v54 =	vpop (erf);
	v16 =	vmul.f32 $1.442695020e+00, v16;
	v8 =	vld [tilespmem:s15+$0xFFFFFFE0];
	s15 =	simm.s32 $0x1BB80;
	v29 =	vmul.f32 v15, v15  }
0x178: {  	v25 =	vmul.f32 $1.442695020e+00, v25;
	v33 =	vmul.f32 v54, v10;
	v31 =	vld [tilespmem:s15+$0xFFFFFFF0]  }
0x179: {  	v30 =	vmul.f32 $-2.000000000e+00, v15;
	v56 =	vld [tilespmem:s15+$0x70];
	v15 =	vmul.f32 v29, v15  }
0x17a: {  	v53 =	vmul.f32 v23, v23;
	v58 =	vld [tilespmem:s15+$0xFFFFFFB0];
	(erf) = vpow2.f32 v16  }
0x17b: {  	v27 =	vadd.f32 $1.000000000e+00, v20;
	v37 =	vld [tilespmem:s15+$0xFFFFFF80];
	v15 =	vmul.f32 $4.000000060e-01, v15;
	v55 =	vpop (erf);
	(erf) = vpow2.f32 v18  }
0x17c: {  	v16 =	vld [tilespmem:s15+$0x50];
	v18 =	vmul.f32 v53, v23;
	v23 =	vmul.f32 $-2.000000000e+00, v23  }
0x17d: {  	v59 =	vld [tilespmem:s15+$0xFFFFFF90];
	v57 =	vpop (erf);
	(erf) = vrcp.f32 v27;
	v27 =	vmul.f32 v55, v8  }
0x17e: {  	v29 =	vld [tilespmem:s15+$0xFFFFFFD0];
	v38 =	vpop (erf);
	(erf) = vpow2.f32 v25;
	v32 =	vmul.f32 v57, v5  }
0x17f: {  	v61 =	vld [tilespmem:s15+$0x40];
	v19 =	vadd.f32 v24, v19;
	v18 =	vmul.f32 $4.000000060e-01, v18;
	v25 =	vmul.f32 v38, v9  }
0x180: {  	v41 =	vld [tilespmem:s15+$0xFFFFFFC0];
	v15 =	vsub.f32 v30, v15;
	v39 =	vpop (erf);
	(erf) = vpow2.f32 v28;
	v28 =	vmul.f32 v27, v27  }
0x181: {  	v46 =	vld [tilespmem:s15+$0x20];
	v60 =	vpop (erf);
	v26 =	vmul.f32 v39, v26;
	(erf) = vrcp.f32 v19  }
0x182: {  	v24 =	vld [tilespmem:s15+$0x10];
	v19 =	vmul.f32 $1.442695020e+00, v15;
	v15 =	vmul.f32 v33, v33  }
0x183: {  	v30 =	vld [tilespmem:s15+$0x0];
	v44 =	vmul.f32 $-2.000000000e+00, v32;
	v38 =	vmul.f32 v60, v11  }
0x184: {  	v28 =	vmul.f32 v28, v27;
	v16 =	vld.idx.msk [tilespmem:v16+s5+$0x0], $0xffff;
	v40 =	vpop (erf);
	(erf) = vpow2.f32 v17  }
0x185: {  	v18 =	vsub.f32 v23, v18;
	v49 =	vmul.f32 $-2.000000000e+00, v25;
	v27 =	vmul.f32 $-2.000000000e+00, v27;
	v17 =	vld [tilespmem:s15+$0x30]  }
0x186: {  	v15 =	vmul.f32 v15, v33;
	v29 =	vld.idx.msk [tilespmem:v29+s5+$0x0], $0xffff;
	v43 =	vpop (erf);
	(erf) = vpow2.f32 v21  }
0x187: {  	v57 =	vld [tilespmem:s15+$0xFFFFFFE0];
	v33 =	vmul.f32 $-2.000000000e+00, v33;
	v18 =	vmul.f32 $1.442695020e+00, v18;
	v45 =	vadd.f32 $1.000000000e+00, v43  }
0x188: {  	v23 =	vld.idx.msk [tilespmem:v61+s5+$0x0], $0xffff;
	v50 =	vmul.f32 v38, v38;
	v47 =	vmul.f32 $4.000000060e-01, v15  }
0x189: {  	v42 =	vmul.f32 $-2.000000000e+00, v38;
	v21 =	vld [tilespmem:s15+$0xFFFFFFA0];
	(erf) = vrcp.f32 v45;
	v45 =	vadd.f32 v26, v14;
	v14 =	vpop (erf)  }
0x18a: {  	v62 =	vld.idx.msk [tilespmem:v41+s5+$0x0], $0xffff;
	v28 =	vmul.f32 $4.000000060e-01, v28;
	v38 =	vmul.f32 v50, v38;
	v33 =	vsub.f32 v33, v47;
	v48 =	vpop (erf)  }
0x18b: {  	v36 =	vld.idx.msk [tilespmem:v58+s5+$0x0], $0xffff;
	v16 =	vadd.f32 v16, v29;
	v14 =	vmul.f32 v14, v20;
	v20 =	vadd.f32 $1.000000000e+00, v40;
	v15 =	vpop (erf)  }
0x18c: {  	v29 =	vld.idx.msk [tilespmem:v30+s5+$0x0], $0xffff;
	v30 =	vmul.f32 v25, v25;
	(erf) = vpow2.f32 v19;
	v19 =	vadd.f32 $1.000000000e+00, v48;
	v63 =	vpop (erf)  }
0x18d: {  	v26 =	vmul.f32 v32, v32;
	v52 =	vld.idx.msk [tilespmem:v17+s5+$0x0], $0xffff;
	(erf) = vrcp.f32 v20;
	v17 =	vpop (erf)  }
0x18e: {  	v37 =	vld.idx.msk [tilespmem:v37+s5+$0x0], $0xffff;
	v33 =	vmul.f32 $1.442695020e+00, v33;
	(erf) = vrcp.f32 v19;
	v19 =	vadd.f32 $1.000000000e+00, v17  }
0x18f: {  	v31 =	vld.idx.msk [tilespmem:v31+s5+$0x0], $0xffff;
	v23 =	vadd.f32 v23, v62;
	v25 =	vmul.f32 v30, v25;
	(erf) = vpow2.f32 v18;
	v20 =	vpop (erf)  }
0x190: {  	v46 =	vld.idx.msk [tilespmem:v46+s5+$0x0], $0xffff;
	v26 =	vmul.f32 v26, v32;
	(erf) = vrcp.f32 v19;
	v19 =	vadd.f32 $1.000000000e+00, v20  }
0x191: {  	v54 =	vadd.f32 v14, v12;
	v60 =	vmul.f32 $4.000000060e-01, v25;
	v21 =	vld.idx.msk [tilespmem:v21+s5+$0x0], $0xffff;
	(erf) = vrcp.f32 v16  }
0x192: {  	v24 =	vld.idx.msk [tilespmem:v24+s5+$0x0], $0xffff;
	v41 =	vmul.f32 v63, v4;
	(erf) = vrcp.f32 v19;
	v19 =	vadd.f32 v52, v36  }
0x193: {  	v14 =	vld.idx.msk [tilespmem:v56+s5+$0x0], $0xffff;
	v55 =	vmul.f32 $4.000000060e-01, v26;
	v37 =	vadd.f32 v29, v37;
	v18 =	vsub.f32 v27, v28  }
0x194: {  	v27 =	vmul.f32 $4.000000060e-01, v38;
	v28 =	vld.idx.msk [tilespmem:v59+s5+$0x0], $0xffff;
	v63 =	vsub.f32 v49, v60;
	v53 =	vmul.f32 $-2.000000000e+00, v41  }
0x195: {  	v26 =	vmul.f32 $1.442695020e+00, v18;
	v18 =	vadd.f32 $1.000000000e+00, v15;
	v12 =	vpop (erf);
	(erf) = vrcp.f32 v23  }
0x196: {  	v56 =	vld [tilespmem:s15+$0x60];
	v16 =	vmul.f32 v41, v41;
	v21 =	vadd.f32 v46, v21;
	(erf) = vrcp.f32 v19;
	v19 =	vpop (erf)  }
0x197: {  	s2 =	simm.s32 $0x1D340;
	v35 =	vsub.f32 v44, v55;
	v36 =	vld.idx.msk [tilespmem:v57+s5+$0x0], $0xffff;
	v23 =	vmul.f32 v12, v43;
	v58 =	vpop (erf);
	(erf) = vrcp.f32 v18  }
0x198: {  	v30 =	vsub.f32 v42, v27;
	v27 =	vmul.f32 v16, v41;
	v16 =	vld [tilespmem:s2+$0x10];
	(erf) = vrcp.f32 v21  }
0x199: {  	v12 =	vld [tilespmem:s2+$0xFFFFFFF0];
	v24 =	vadd.f32 v24, v28;
	v28 =	vpop (erf);
	v21 =	vadd.f32 v14, v31;
	v40 =	vmul.f32 v58, v40  }
0x19a: {  	v59 =	vadd.f32 v23, v13;
	v23 =	vld [tilespmem:s2+$0x20];
	v61 =	vadd.f32 $1.000000000e+00, v19;
	v31 =	vmul.f32 $4.000000060e-01, v27;
	v18 =	vpop (erf)  }
0x19b: {  	v14 =	vld [tilespmem:s2+$0x0];
	v27 =	vmul.f32 v28, v48;
	v25 =	vpop (erf);
	(erf) = vrcp.f32 v21;
	v62 =	vadd.f32 v40, v22  }
0x19c: {  	s31 =	simm.s32 $0x1DEC0;
	v13 =	vld [tilespmem:s2+$0xFFFFFFD0];
	v40 =	vmul.f32 $1.442695020e+00, v30;
	v41 =	vsub.f32 v53, v31;
	v31 =	vmul.f32 $1.442695020e+00, v63;
	v29 =	vpop (erf)  }
0x19d: {  	[tilespmem:s31+$0x10] =	vst v45;
	v21 =	vld [tilespmem:s2+$0x30];
	(erf) = vrcp.f32 v37;
	v39 =	vmul.f32 v29, v16;
	v28 =	vpop (erf)  }
0x19e: {  	s0 =	sshll.u32 s0, $0x5;
	[tilespmem:s31+$0x0] =	vst v54;
	v22 =	vld [tilespmem:s2+$0xFFFFFFC0];
	v29 =	vmul.f32 $1.442695020e+00, v35;
	(erf) = vrcp.f32 v61;
	v30 =	vpop (erf)  }
0x19f: {  	s30 =	simm.s32 $0x1DF40;
	s29 =	sor.u32 s6, s0;
	[tilespmem:s31+$0xFFFFFFF0] =	vst v59;
	v35 =	vld.idx.msk [tilespmem:v56+s5+$0x0], $0xffff;
	v42 =	vmul.f32 v39, v39;
	v38 =	vpop (erf);
	(erf) = vrcp.f32 v24  }
0x1a0: {  	s0 =	simm.s32 $0x1DF40;
	s14 =	simm.s32 $0x10;
	s15 =	simm.s32 $0x1BC80;
	v34 =	vadd.f32 $1.000000000e+00, v18;
	[tilespmem:s31+$0xFFFFFFD0] =	vst v62;
	v37 =	vmul.f32 $-2.000000000e+00, v39;
	v24 =	vld [tilespmem:s2+$0xFFFFFFE0];
	v32 =	vmul.f32 v30, v14;
	v30 =	vpop (erf)  }
.LBB2_8:
0x1a1: {  	v43 =	vld [tilespmem:s15+$0xFFFFFFF0];
	s14 =	sadd.s32 $0x8, s14;
	v39 =	vmul.f32 v42, v39;
	v42 =	vpop (erf);
	s30 =	sadd.s32 $0x80, s30;
	(erf) = vpow2.f32 v40  }
0x1a2: {  	v20 =	vmul.f32 v28, v20;
	v40 =	vld [tilespmem:s15+$0xFFFFFFD0];
	p0 =	slt.u32 s14, $0xC0;
	v44 =	vmul.f32 v32, v32  }
0x1a3: {  	v27 =	vadd.f32 v27, v1;
	v17 =	vmul.f32 v25, v17;
	v1 =	vmovc v4;
	v4 =	vmovc v23;
	v28 =	vld [tilespmem:s15+$0x50];
	v39 =	vmul.f32 $4.000000060e-01, v39  }
0x1a4: {  	v45 =	vmul.f32 v30, v15;
	v35 =	vadd.f32 v35, v36;
	v23 =	vld [tilespmem:s15+$0x70];
	v25 =	vpop (erf);
	(erf) = vpow2.f32 v33  }
0x1a5: {  	v33 =	vmul.f32 v44, v32;
	v30 =	vld [tilespmem:s15+$0xFFFFFFB0];
	v36 =	vsub.f32 v37, v39;
	v37 =	vmul.f32 $1.442695020e+00, v41  }
0x1a6: {  	v38 =	vmul.f32 v38, v12;
	v3 =	vadd.f32 v45, v3;
	v39 =	vld [tilespmem:s15+$0xFFFFFF80];
	v41 =	vpop (erf);
	(erf) = vrcp.f32 v34  }
0x1a7: {  	v44 =	vadd.f32 v20, v2;
	v42 =	vmul.f32 v42, v24;
	v34 =	vld [tilespmem:s15+$0xFFFFFF90];
	v15 =	vpop (erf);
	(erf) = vpow2.f32 v37;
	[tilespmem:s31+$0x20] =	vst v27  }
0x1a8: {  	v27 =	vmul.f32 v41, v22;
	v37 =	vld [tilespmem:s15+$0x10];
	v20 =	vpop (erf);
	(erf) = vpow2.f32 v26;
	[tilespmem:s31+$0xFFFFFFE0] =	vst v3;
	v3 =	vadd.f32 v17, v0  }
0x1a9: {  	v17 =	vmul.f32 v42, v42;
	v15 =	vmul.f32 v15, v19;
	v0 =	vmovc v5;
	v5 =	vmov v21;
	v26 =	vld [tilespmem:s15+$0x0];
	[tilespmem:s31+$0xFFFFFFC0] =	vst v44  }
0x1aa: {  	v2 =	vmov v9;
	v19 =	vmul.f32 v20, v13;
	v20 =	vmul.f32 v25, v5;
	v21 =	vld.idx.msk [tilespmem:v43+s5+$0x0], $0xffff;
	v25 =	vpop (erf);
	[tilespmem:s31+$0x30] =	vst v3;
	s31 =	smov.u32 s0;
	s0 =	smov.u32 s30  }
0x1ab: {  	v9 =	vmovc v22;
	v17 =	vmul.f32 v17, v42;
	v15 =	vadd.f32 v15, v6;
	v6 =	vmovc v16;
	v41 =	vld [tilespmem:s15+$0x40];
	(erf) = vrcp.f32 v35  }
0x1ac: {  	v22 =	vmul.f32 $1.442695020e+00, v36;
	v35 =	vadd.f32 $1.000000000e+00, v25;
	v16 =	vld [tilespmem:s15+$0xFFFFFFC0];
	(erf) = vpow2.f32 v29;
	v3 =	vmovc v8;
	v8 =	vmovc v24  }
0x1ad: {  	v36 =	vmul.f32 v38, v38;
	v29 =	vmul.f32 $-2.000000000e+00, v19;
	v24 =	vld [tilespmem:s15+$0x30];
	[tilespmem:s31+$0x10] =	vst v15;
	v43 =	vpop (erf)  }
0x1ae: {  	v32 =	vmul.f32 $-2.000000000e+00, v32;
	v44 =	vmul.f32 $-2.000000000e+00, v20;
	v39 =	vld.idx.msk [tilespmem:v39+s5+$0x0], $0xffff;
	v49 =	vadd.f32 $1.000000000e+00, v43  }
0x1af: {  	v36 =	vmul.f32 v36, v38;
	v45 =	vld [tilespmem:s15+$0x20];
	(erf) = vpow2.f32 v31;
	v31 =	vpop (erf)  }
0x1b0: {  	v33 =	vmul.f32 $4.000000060e-01, v33;
	v46 =	vld [tilespmem:s15+$0xFFFFFFA0];
	(erf) = vrcp.f32 v49;
	v47 =	vpop (erf)  }
0x1b1: {  	v48 =	vmul.f32 v20, v20;
	v49 =	vmul.f32 $-2.000000000e+00, v38;
	v28 =	vld.idx.msk [tilespmem:v28+s5+$0x0], $0xffff;
	v15 =	vpop (erf)  }
0x1b2: {  	v32 =	vsub.f32 v32, v33;
	v36 =	vmul.f32 $4.000000060e-01, v36;
	v18 =	vmul.f32 v31, v18;
	v40 =	vld.idx.msk [tilespmem:v40+s5+$0x0], $0xffff  }
0x1b3: {  	v33 =	vmul.f32 $4.000000060e-01, v17;
	v31 =	vld.idx.msk [tilespmem:v41+s5+$0x0], $0xffff;
	v41 =	vmul.f32 $-2.000000000e+00, v27  }
0x1b4: {  	v42 =	vmul.f32 $-2.000000000e+00, v42;
	v32 =	vmul.f32 $1.442695020e+00, v32;
	v36 =	vsub.f32 v49, v36;
	v16 =	vld.idx.msk [tilespmem:v16+s5+$0x0], $0xffff;
	v38 =	vpop (erf)  }
0x1b5: {  	v49 =	vmul.f32 v19, v19;
	v24 =	vld.idx.msk [tilespmem:v24+s5+$0x0], $0xffff;
	(erf) = vpow2.f32 v22;
	v22 =	vadd.f32 $1.000000000e+00, v47;
	v17 =	vpop (erf)  }
0x1b6: {  	v33 =	vsub.f32 v42, v33;
	v38 =	vmul.f32 v38, v4;
	v30 =	vld.idx.msk [tilespmem:v30+s5+$0x0], $0xffff;
	(erf) = vrcp.f32 v35  }
0x1b7: {  	s2 =	sadd.s32 $0x80, s2;
	v19 =	vmul.f32 v49, v19;
	v42 =	vadd.f32 $1.000000000e+00, v17;
	v35 =	vld.idx.msk [tilespmem:v45+s5+$0x0], $0xffff;
	(erf) = vrcp.f32 v22  }
0x1b8: {  	v28 =	vadd.f32 v28, v40;
	v40 =	vmul.f32 v48, v20;
	v22 =	vld.idx.msk [tilespmem:v46+s5+$0x0], $0xffff;
	(erf) = vpow2.f32 v32;
	v20 =	vpop (erf)  }
0x1b9: {  	v32 =	vld.idx.msk [tilespmem:v37+s5+$0x0], $0xffff;
	v37 =	vmul.f32 $4.000000060e-01, v19;
	v19 =	vadd.f32 $1.000000000e+00, v20;
	v45 =	vpop (erf);
	(erf) = vrcp.f32 v42  }
0x1ba: {  	v18 =	vadd.f32 v18, v7;
	v7 =	vmovc v14;
	v34 =	vld.idx.msk [tilespmem:v34+s5+$0x0], $0xffff;
	(erf) = vrcp.f32 v28;
	v28 =	vmul.f32 v38, v38  }
0x1bb: {  	v16 =	vadd.f32 v31, v16;
	v31 =	vmul.f32 $-2.000000000e+00, v38;
	v14 =	vld.idx.msk [tilespmem:v26+s5+$0x0], $0xffff;
	(erf) = vrcp.f32 v19  }
0x1bc: {  	v42 =	vadd.f32 v24, v30;
	v30 =	vmul.f32 $4.000000060e-01, v40;
	v24 =	vld.idx.msk [tilespmem:v23+s5+$0x0], $0xffff;
	v23 =	vmul.f32 v27, v27;
	[tilespmem:s31+$0x0] =	vst v18  }
0x1bd: {  	v26 =	vmul.f32 $1.442695020e+00, v33;
	v18 =	vadd.f32 $1.000000000e+00, v15;
	v40 =	vld [tilespmem:s2+$0xFFFFFFF0];
	(erf) = vrcp.f32 v16  }
0x1be: {  	v33 =	vmul.f32 v45, v43;
	v22 =	vadd.f32 v35, v22;
	v35 =	vld [tilespmem:s15+$0x60];
	(erf) = vrcp.f32 v42;
	v19 =	vpop (erf)  }
0x1bf: {  	v37 =	vsub.f32 v29, v37;
	v23 =	vmul.f32 v23, v27;
	v27 =	vmul.f32 v28, v38;
	v43 =	vld [tilespmem:s15+$0xFFFFFFE0];
	v28 =	vpop (erf)  }
0x1c0: {  	v33 =	vadd.f32 v33, v10;
	v32 =	vadd.f32 v32, v34;
	v16 =	vld [tilespmem:s2+$0x10];
	(erf) = vrcp.f32 v18;
	v29 =	vpop (erf)  }
0x1c1: {  	v38 =	vadd.f32 v14, v39;
	(erf) = vrcp.f32 v22;
	v22 =	vmul.f32 $4.000000060e-01, v23;
	v18 =	vpop (erf)  }
0x1c2: {  	v21 =	vadd.f32 v24, v21;
	v24 =	vmul.f32 $4.000000060e-01, v27;
	v27 =	vmul.f32 v28, v25;
	v23 =	vld [tilespmem:s2+$0x20];
	[tilespmem:s31+$0xFFFFFFF0] =	vst v33;
	v25 =	vpop (erf)  }
0x1c3: {  	v33 =	vmul.f32 $1.442695020e+00, v36;
	v34 =	vadd.f32 $1.000000000e+00, v18;
	v36 =	vsub.f32 v44, v30;
	v45 =	vld [tilespmem:s2+$0xFFFFFFD0];
	v10 =	vpop (erf)  }
0x1c4: {  	v48 =	vadd.f32 v27, v11;
	v27 =	vmul.f32 v29, v47;
	v14 =	vld [tilespmem:s2+$0x0];
	(erf) = vrcp.f32 v21;
	v28 =	vpop (erf)  }
.Ltmp7:
0x1c5: {  	v44 =	vadd.f32 $1.000000000e+00, v19;
	v29 =	vmul.f32 $1.442695020e+00, v36;
	v39 =	vmul.f32 v10, v16;
	v21 =	vld [tilespmem:s2+$0x30];
	v10 =	vmovc v12;
	v12 =	vmovc v40;
	(pc) =	sbr.rel @p0 .LBB2_8-.Ltmp7, $4  }
0x1c6: {  	v46 =	vsub.f32 v41, v22;
	v40 =	vmul.f32 $1.442695020e+00, v37;
	v35 =	vld.idx.msk [tilespmem:v35+s5+$0x0], $0xffff;
	(erf) = vrcp.f32 v38;
	v30 =	vpop (erf);
	[tilespmem:s31+$0xFFFFFFD0] =	vst v48  }
0x1c7: {  	v11 =	vmov v13;
	v42 =	vmul.f32 v39, v39;
	v36 =	vld.idx.msk [tilespmem:v43+s5+$0x0], $0xffff;
	v38 =	vpop (erf);
	(erf) = vrcp.f32 v44  }
0x1c8: {  	v41 =	vsub.f32 v31, v24;
	v37 =	vmul.f32 $-2.000000000e+00, v39;
	v22 =	vld [tilespmem:s2+$0xFFFFFFC0];
	(erf) = vrcp.f32 v32;
	v13 =	vmovc v45  }
0x1c9: {  	s15 =	sadd.s32 $0x100, s15;
	v31 =	vmul.f32 $1.442695020e+00, v46;
	v24 =	vld [tilespmem:s2+$0xFFFFFFE0];
	v32 =	vmul.f32 v30, v14;
	v30 =	vpop (erf)  }
0x1ca: {  	v39 =	vmul.f32 v42, v39;
	(erf) = vpow2.f32 v40  }
0x1cb: {  	v41 =	vmul.f32 $1.442695020e+00, v41;
	v38 =	vmul.f32 v38, v12  }
0x1cc: {  	v57 =	vmul.f32 v32, v32;
	(erf) = vpow2.f32 v33  }
0x1cd: {  	v58 =	vpop (erf);
	v51 =	vmul.f32 $-2.000000000e+00, v32;
	v39 =	vmul.f32 $4.000000060e-01, v39  }
0x1ce: {  	v50 =	vmul.f32 v38, v38;
	v40 =	vmul.f32 v57, v32;
	v59 =	vpop (erf)  }
0x1cf: {  	v33 =	vmul.f32 v58, v24;
	v43 =	vpop (erf);
	(erf) = vrcp.f32 v34  }
0x1d0: {  	v62 =	vmul.f32 v59, v21;
	v34 =	vpop (erf);
	(erf) = vpow2.f32 v41  }
0x1d1: {  	v35 =	vadd.f32 v35, v36;
	v42 =	vmul.f32 v50, v38;
	v38 =	vmul.f32 $-2.000000000e+00, v38  }
0x1d2: {  	v40 =	vmul.f32 $4.000000060e-01, v40;
	v60 =	vpop (erf);
	(erf) = vpow2.f32 v26  }
0x1d3: {  	v37 =	vsub.f32 v37, v39;
	v41 =	vmul.f32 v43, v22;
	(erf) = vrcp.f32 v35  }
0x1d4: {  	v61 =	vmul.f32 v33, v33;
	(erf) = vpow2.f32 v29  }
0x1d5: {  	v37 =	vmul.f32 $1.442695020e+00, v37;
	v46 =	vmul.f32 v62, v62;
	v35 =	vpop (erf)  }
0x1d6: {  	v42 =	vmul.f32 $4.000000060e-01, v42;
	v32 =	vsub.f32 v51, v40;
	v36 =	vmul.f32 v60, v13;
	v43 =	vpop (erf)  }
0x1d7: {  	v26 =	vmul.f32 v61, v33;
	v40 =	vmul.f32 $-2.000000000e+00, v41;
	v44 =	vadd.f32 $1.000000000e+00, v43  }
0x1d8: {  	v33 =	vmul.f32 $-2.000000000e+00, v33;
	(erf) = vpow2.f32 v31;
	v45 =	vpop (erf)  }
0x1d9: {  	v39 =	vmul.f32 v46, v62;
	v52 =	vadd.f32 $1.000000000e+00, v35;
	(erf) = vrcp.f32 v44;
	v47 =	vpop (erf)  }
0x1da: {  	v58 =	vmul.f32 v41, v41;
	(erf) = vpow2.f32 v37;
	v48 =	vadd.f32 $1.000000000e+00, v47  }
0x1db: {  	v32 =	vmul.f32 $1.442695020e+00, v32;
	(erf) = vrcp.f32 v52;
	v37 =	vpop (erf)  }
0x1dc: {  	v53 =	vmul.f32 v36, v36;
	v49 =	vpop (erf);
	(erf) = vrcp.f32 v48  }
0x1dd: {  	v63 =	vmul.f32 $-2.000000000e+00, v36;
	v50 =	vpop (erf);
	(erf) = vpow2.f32 v32  }
0x1de: {  	v36 =	vmul.f32 v53, v36;
	v55 =	vmul.f32 v49, v23  }
0x1df: {  	v31 =	vmul.f32 $-2.000000000e+00, v62;
	v26 =	vmul.f32 $4.000000060e-01, v26  }
0x1e0: {  	v38 =	vsub.f32 v38, v42;
	v36 =	vmul.f32 $4.000000060e-01, v36;
	v57 =	vmul.f32 v55, v55  }
0x1e1: {  	v41 =	vmul.f32 v58, v41;
	v62 =	vmul.f32 $4.000000060e-01, v39;
	v54 =	vadd.f32 $1.000000000e+00, v50;
	v44 =	vpop (erf)  }
0x1e2: {  	v29 =	vsub.f32 v63, v36;
	v56 =	vadd.f32 $1.000000000e+00, v44;
	v51 =	vpop (erf);
	v48 =	vmul.f32 v57, v55  }
0x1e3: {  	v59 =	vadd.f32 $1.000000000e+00, v37;
	v32 =	vmul.f32 $-2.000000000e+00, v55;
	(erf) = vrcp.f32 v54;
	v49 =	vpop (erf)  }
0x1e4: {  	(erf) = vrcp.f32 v56;
	v60 =	vadd.f32 $1.000000000e+00, v49;
	v42 =	vpop (erf);
	v61 =	vmul.f32 $4.000000060e-01, v48  }
0x1e5: {  	v26 =	vsub.f32 v33, v26;
	v29 =	vmul.f32 $1.442695020e+00, v29;
	(erf) = vrcp.f32 v59;
	v33 =	vpop (erf)  }
0x1e6: {  	v38 =	vmul.f32 $1.442695020e+00, v38;
	(erf) = vrcp.f32 v60;
	v32 =	vsub.f32 v32, v61;
	v39 =	vpop (erf)  }
0x1e7: {  	v41 =	vmul.f32 $4.000000060e-01, v41;
	(erf) = vpow2.f32 v29;
	v63 =	vadd.f32 $1.000000000e+00, v39  }
0x1e8: {  	v31 =	vsub.f32 v31, v62;
	(erf) = vpow2.f32 v38;
	v32 =	vmul.f32 $1.442695020e+00, v32  }
0x1e9: {  	v26 =	vmul.f32 $1.442695020e+00, v26;
	v40 =	vsub.f32 v40, v41;
	(erf) = vrcp.f32 v63  }
0x1ea: {  	v41 =	vmul.f32 $1.442695020e+00, v31;
	(erf) = vpow2.f32 v32  }
0x1eb: {  	v46 =	vmul.f32 $1.442695020e+00, v40;
	(erf) = vpow2.f32 v26  }
0x1ec: {  	v48 =	vpop (erf);
	(erf) = vpow2.f32 v41  }
0x1ed: {  	v52 =	vpop (erf);
	(erf) = vpow2.f32 v46  }
0x1ee: {  	v53 =	vpop (erf)  }
0x1ef: {  	v54 =	vpop (erf)  }
0x1f0: {  	v15 =	vmul.f32 v30, v15;
	v55 =	vpop (erf)  }
0x1f1: {  	v20 =	vmul.f32 v28, v20;
	v38 =	vpop (erf)  }
0x1f2: {  	v1 =	vadd.f32 v27, v1;
	v17 =	vmul.f32 v25, v17;
	v3 =	vadd.f32 v15, v3;
	v56 =	vpop (erf)  }
0x1f3: {  	v2 =	vadd.f32 v20, v2;
	v20 =	vmul.f32 v51, v43;
	v57 =	vadd.f32 $1.000000000e+00, v38;
	v28 =	vpop (erf)  }
0x1f4: {  	v0 =	vadd.f32 v17, v0;
	v35 =	vmul.f32 v42, v35;
	v58 =	vadd.f32 $1.000000000e+00, v55;
	v25 =	vpop (erf)  }
0x1f5: {  	[tilespmem:s31+$0x20] =	vst v1;
	v40 =	vadd.f32 v20, v10;
	(erf) = vrcp.f32 v57;
	v59 =	vadd.f32 $1.000000000e+00, v28;
	v27 =	vpop (erf)  }
0x1f6: {  	[tilespmem:s31+$0xFFFFFFE0] =	vst v3;
	v61 =	vmul.f32 v34, v19;
	(erf) = vrcp.f32 v58;
	v60 =	vadd.f32 $1.000000000e+00, v27;
	v17 =	vpop (erf)  }
0x1f7: {  	[tilespmem:s31+$0xFFFFFFC0] =	vst v2;
	v42 =	vadd.f32 v35, v11;
	(erf) = vrcp.f32 v59;
	v62 =	vadd.f32 $1.000000000e+00, v17  }
0x1f8: {  	[tilespmem:s31+$0x30] =	vst v0;
	v63 =	vmul.f32 v45, v18;
	v18 =	vadd.f32 $1.000000000e+00, v25;
	(erf) = vrcp.f32 v60  }
0x1f9: {  	[tilespmem:s0+$0xFFFFFFF0] =	vst v40;
	v1 =	vadd.f32 v61, v6;
	v45 =	vmul.f32 v48, v50;
	(erf) = vrcp.f32 v62  }
0x1fa: {  	[tilespmem:s0+$0xFFFFFFD0] =	vst v42;
	v44 =	vmul.f32 v52, v44;
	v34 =	vadd.f32 v63, v7;
	(erf) = vrcp.f32 v18  }
0x1fb: {  	[tilespmem:s0+$0x10] =	vst v1;
	v43 =	vmul.f32 v53, v37;
	v0 =	vadd.f32 v45, v5  }
0x1fc: {  	v41 =	vmul.f32 v33, v47;
	v1 =	vadd.f32 v44, v9;
	[tilespmem:s0+$0x0] =	vst v34  }
0x1fd: {  	v3 =	vadd.f32 v43, v8;
	[tilespmem:s0+$0x30] =	vst v0;
	v47 =	vmul.f32 v54, v49  }
0x1fe: {  	v2 =	vadd.f32 v41, v4;
	[tilespmem:s0+$0xFFFFFFC0] =	vst v1;
	v49 =	vmul.f32 v56, v39;
	v46 =	vpop (erf)  }
0x1ff: {  	[tilespmem:s0+$0xFFFFFFE0] =	vst v3;
	v51 =	vadd.f32 v47, v16;
	v48 =	vpop (erf);
	v52 =	vmul.f32 v46, v38  }
0x200: {  	s2 =	sadd.s32 $0x80, s30;
	[tilespmem:s0+$0x20] =	vst v2;
	v54 =	vadd.f32 v49, v14;
	v55 =	vmul.f32 v48, v55;
	v50 =	vpop (erf)  }
0x201: {  	[tilespmem:s2+$0x10] =	vst v51;
	v57 =	vadd.f32 v52, v12;
	v58 =	vmul.f32 v50, v28;
	v53 =	vpop (erf)  }
0x202: {  	[tilespmem:s2+$0x0] =	vst v54;
	v60 =	vadd.f32 v55, v13;
	v56 =	vpop (erf);
	v63 =	vmul.f32 v53, v27  }
0x203: {  	[tilespmem:s2+$0xFFFFFFF0] =	vst v57;
	v2 =	vadd.f32 v58, v23;
	v59 =	vpop (erf);
	v62 =	vmul.f32 v56, v17  }
0x204: {  	s0 =	sadd.s32 $0x3, s28;
	[tilespmem:s2+$0xFFFFFFD0] =	vst v60;
	v61 =	vmul.f32 v59, v25;
	v0 =	vadd.f32 v63, v21  }
0x205: {  	p0 =	sge.u32 s0, s8;
	[tilespmem:s2+$0x20] =	vst v2;
	v1 =	vadd.f32 v62, v22  }
0x206: {  	s14 =	smul.u32 $0x190, s29;
	s0 =	sshll.u32 @!p0 s0, $0x5;
	v3 =	vadd.f32 v61, v24;
	[tilespmem:s2+$0x30] =	vst v0  }
0x207: {  	s0 =	sor.u32 @!p0 s6, s0;
	[tilespmem:s2+$0xFFFFFFC0] =	vst v1  }
0x208: {  	s31 =	sadd.s32 s4, s14;
	s14 =	smul.u32 @!p0 $0x320, s0;
	[tilespmem:s2+$0xFFFFFFE0] =	vst v3  }
0x209: {  	[hbm4b:s31+s5] =	stream.linear.scatter [tilespmem:s22], [sflag:$0x4], $0xC80, $0x38;
	[tilespmem:$0x1EB00] =	vst v63  }
.Ltmp8:
0x20a: {  	s15 =	simm.s32 @!p0 $0x1B900;
	(pc) =	sbr.rel .LBB2_10-.Ltmp8, $4  }
0x20b: {  	s0 =	smul.u32 @!p0 $0x190, s0;
	s2 =	sadd.s32 @!p0 s1, s14;
	s14 =	simm.s32 @!p0 $0x0  }
0x20c: {  	[tilespmem:s15], [sflag:$0x2] =	stream.linear.gather @!p0 [hbm4b:s2+s14], $0x1900, $0x38;
	[tilespmem:$0x1EB00] =	vst v63  }
0x20d: {  	s0 =	sadd.s32 @!p0 s3, s0;
	s2 =	simm.s32 @!p0 $0x1D200  }
0x20e: {  	[tilespmem:s2], [sflag:$0x2] =	stream.linear.gather @!p0 [hbm4b:s0+s14], $0xC80, $0x38;
	[tilespmem:$0x1EB00] =	vst v63  }
.LBB2_12:
0x20f: {  	_ =	sfence.sel $0x180000  }
0x210: {  	[bflag:$0x0] =	sbarrier.arrive $0xFFFF  }
0x211: {  	_ =	strace $0x90000047  }
0x212: {  	s0 =	stileid.u32;
	[bflag:$0x2] =	sbarrier.arrive $0xFFFF  }
0x213: {  	p0 =	sne.s32 s0, $0x0;
	s0 =	rddreg [dreg:$0x4]  }
0x214: {  	s0 =	sadd.s32 @!p0 $0x100000, s0  }
0x215: {  	[sflag:s0] =	ssyncadd.tile.s32 @!p0 $0x1;
	_ =	shalt  }
.Lfunc_end2:
_tile_overlayer_lowered:
.L_overlay_start_2:
0x216: {  	(tag) =	ssettag $0x2  }
0x217: {  	s0 =	rddreg [dreg:$0x0];
	s2 =	stileid.u32  }
0x218: {  	s1 =	rddreg [dreg:$0x1];
	p0 =	sne.s32 s2, $0x0  }
0x219: {  	s3 =	rddreg [dreg:$0x2];
	[bflag:$0x3] =	sbarrier.arrive $0xFFFF;
	s2 =	simm.s32 @!p0 $0x1C06  }
0x21a: {  	[timem:s3], [sflag:s2] =	dma.local @!p0 [hbm:s0], s1  }
0x21b: {  	s0 =	simm.s32 @!p0 $0x6  }
0x21c: {  	_ =	swait.ge @!p0 [sflag:s0], s1  }
0x21d: {  	s1 =	ssub.s32 @!p0 $0x0, s1;
	[sflag:s0] =	ssyncset.done @!p0 $0x0  }
0x21e: {  	[sflag:s0] =	ssyncadd.s32 @!p0 s1  }
0x21f: {  	[bflag:$0x3] =	sbarrier.arrive $0xFFFF  }
0x220: {  	_ =	shalt  }

</sc_bundles>
